<compile_context>
chip_gen: v7x
topology: tpu7x:2x2x1
jax: 0.10.2.dev20260603
libtpu: 0.0.44.dev20260713+nightly
codegen_flags: <defaults>
</compile_context>

<pallas_src>
import jax
import jax.numpy as jnp
from jax.experimental import pallas as pl
from jax.experimental.pallas import tpu as pltpu

N_DIMS = 3
ATOM_NF = 16
RESIDUE_NF = 21
JOINT_NF = 16
HIDDEN_NF = 64
N_LAYERS = 4
NORM_FACTOR = 100.0
N_BATCH = 16
N_ATOMS = 320
N_RES = 1600
N_NODES = N_ATOMS + N_RES

TJ = 128
TJH = TJ // 2
FOLD = 2 * HIDDEN_NF
N2 = N_NODES + N_BATCH * (TJ - 1) + 32
N2 = ((N2 + TJ - 1) // TJ) * TJ
NT2 = N2 // TJ
UT = 240
UNT = N_NODES // UT


def _silu(x):
    return 0.5 * x * (1.0 + jnp.tanh(0.5 * x))


def _pre_kernel(xa_ref, xr_ref, t_ref,
                wa1, ba1, wa2, ba2,
                wr1, br1, wr2, br2,
                we, be,
                out_ref):
    xa = xa_ref[...]
    xr = xr_ref[...]
    ha = xa[:, N_DIMS:]
    hr = xr[:, N_DIMS:]
    ha = _silu(ha @ wa1[...] + ba1[...]) @ wa2[...] + ba2[...]
    hr = _silu(hr @ wr1[...] + br1[...]) @ wr2[...] + br2[...]
    we_full = we[...]
    we_x = we_full[:N_DIMS, :]
    we_h = we_full[N_DIMS:N_DIMS + JOINT_NF, :]
    we_t = we_full[N_DIMS + JOINT_NF:, :]
    tval = t_ref[...]
    tcontrib = tval * we_t
    fa = xa[:, :N_DIMS] @ we_x + ha @ we_h + tcontrib + be[...]
    fr = xr[:, :N_DIMS] @ we_x + hr @ we_h + tcontrib + be[...]
    out_ref[:N_ATOMS, :] = fa
    out_ref[N_ATOMS:, :] = fr


def _pack_kernel(src_ref, feat_ref, out_ref):
    iota = jax.lax.broadcasted_iota(jnp.int32, (TJ, N_NODES), 1)
    oh = (src_ref[...] == iota).astype(jnp.float32)
    out_ref[...] = oh @ feat_ref[...]


def _unpack_kernel(dst_ref, featpk_ref, out_ref):
    iota = jax.lax.broadcasted_iota(jnp.int32, (UT, N2), 1)
    oh = (dst_ref[...] == iota).astype(jnp.float32)
    out_ref[...] = oh @ featpk_ref[...]


def _gcl_kernel(bounds_ref,
                feat0_ref,
                bias2_ref,
                w1a, b1, w1b, w2d,
                w3f, w3a, b3, w4, b4,
                out_ref,
                fbuf,
                a2buf,
                bfbuf,
                aggbuf):
    l = pl.program_id(0)
    ph = pl.program_id(1)

    cur = jax.lax.rem(l, 2)
    nxt = 1 - cur

    @pl.when(ph == 0)
    def _pre_step():
        @pl.when(l == 0)
        def _copy_in():
            fbuf[0] = feat0_ref[...]

        f = fbuf[cur]
        a = f @ w1a[0] + b1[0]
        a2buf[...] = jnp.concatenate([a, a], axis=1)
        b = f @ w1b[0]
        br = b.reshape(NT2, 2, TJH, HIDDEN_NF)
        bfbuf[...] = jnp.concatenate([br[:, 0], br[:, 1]], axis=-1)

    @pl.when((ph >= 1) & (ph <= NT2))
    def _row_tile():
        i = ph - 1
        ioff = pl.multiple_of(i * TJ, TJ)
        a2 = a2buf[pl.ds(ioff, TJ), :]
        jlo = bounds_ref[0, i]
        jhi = bounds_ref[1, i]

        def body(j, acc):
            bf = bfbuf[j]
            u = _silu(a2[:, None, :] + bf[None, :, :])
            mp = u.reshape(TJ * TJH, FOLD) @ w2d[0]
            m = _silu(mp.reshape(TJ, TJH, FOLD) + bias2_ref[0, j])
            s = jnp.sum(m, axis=1)
            return acc + s[:, :HIDDEN_NF] + s[:, HIDDEN_NF:]

        acc = jax.lax.fori_loop(jlo, jhi + 1, body,
                                jnp.zeros((TJ, HIDDEN_NF), jnp.float32))
        aggbuf[pl.ds(ioff, TJ), :] = acc

    @pl.when(ph == NT2 + 1)
    def _node_step():
        f = fbuf[cur]
        agg = aggbuf[...] * (1.0 / NORM_FACTOR)
        tmp = _silu(f @ w3f[0] + agg @ w3a[0] + b3[0])
        newf = f + tmp @ w4[0] + b4[0]
        fbuf[nxt] = newf

        @pl.when(l == N_LAYERS - 1)
        def _emit():
            out_ref[...] = newf


def _post_kernel(feat_ref, maski_ref,
                 weo, beo,
                 wad1, bad1, wad2, bad2,
                 wrd1, brd1, wrd2, brd2,
                 outa_ref, outr_ref):
    feat = feat_ref[...]
    out = feat @ weo[...] + beo[...]
    vel = out[:, :N_DIMS]
    hfin = out[:, N_DIMS:N_DIMS + JOINT_NF]
    ha = _silu(hfin[:N_ATOMS] @ wad1[...] + bad1[...]) @ wad2[...] + bad2[...]
    hr = _silu(hfin[N_ATOMS:] @ wrd1[...] + brd1[...]) @ wrd2[...] + brd2[...]
    maski = maski_ref[...]
    batches = jax.lax.broadcasted_iota(jnp.int32, (N_NODES, N_BATCH), 1)
    onehot = (maski == batches).astype(jnp.float32)
    seg = jax.lax.dot_general(onehot, vel, (((0,), (0,)), ((), ())))
    cnt = jnp.sum(onehot, axis=0, keepdims=True).T
    mean = seg / jnp.maximum(cnt, 1.0)
    vel = vel - onehot @ mean
    outa_ref[...] = jnp.concatenate([vel[:N_ATOMS], ha], axis=1)
    outr_ref[...] = jnp.concatenate([vel[N_ATOMS:], hr], axis=1)


@jax.jit
def _run(xh_atoms, xh_residues, t, mask_atoms, mask_residues, params):
    mask = jnp.concatenate([mask_atoms, mask_residues]).astype(jnp.int32)
    perm = jnp.argsort(mask, stable=True).astype(jnp.int32)
    maskp = mask[perm]

    pos = jnp.searchsorted(maskp, jnp.arange(N_BATCH + 1, dtype=jnp.int32)).astype(jnp.int32)
    cnt = pos[1:] - pos[:-1]
    padc = ((cnt + TJ - 1) // TJ) * TJ
    dst = jnp.concatenate([jnp.zeros((1,), jnp.int32),
                           jnp.cumsum(padc).astype(jnp.int32)])
    npad = dst[-1]

    rowidx = jnp.arange(N2, dtype=jnp.int32)
    brow = jnp.clip(jnp.searchsorted(dst, rowidx, side="right") - 1, 0, N_BATCH - 1)
    off = rowidx - dst[brow]
    valid = (off < cnt[brow]) & (rowidx < npad)
    packsrc = jnp.where(
        valid, perm[jnp.clip(pos[brow] + off, 0, N_NODES - 1)], -1).astype(jnp.int32)
    invperm = jnp.argsort(perm).astype(jnp.int32)
    packdst = (dst[mask] + invperm - pos[mask]).astype(jnp.int32)

    rb = jnp.arange(NT2, dtype=jnp.int32) * TJ
    btile = jnp.clip(jnp.searchsorted(dst, rb, side="right") - 1, 0, N_BATCH - 1)
    jlo = dst[btile] // TJ
    jhi = dst[btile + 1] // TJ - 1
    emptyrow = rb >= npad
    jlo = jnp.where(emptyrow, 0, jlo).astype(jnp.int32)
    jhi = jnp.where(emptyrow, -1, jhi).astype(jnp.int32)
    bounds = jnp.stack([jlo, jhi])

    vf = jnp.where(valid, 0.0, -1e9).astype(jnp.float32).reshape(NT2, 2, TJH)
    vbias = jnp.concatenate(
        [jnp.broadcast_to(vf[:, 0, :, None], (NT2, TJH, HIDDEN_NF)),
         jnp.broadcast_to(vf[:, 1, :, None], (NT2, TJH, HIDDEN_NF))], axis=2)

    p = params

    def lin(name, sub=None):
        q = p[name] if sub is None else p[name][sub]
        return q["w"], q["b"].reshape(1, -1)

    wa1, ba1 = lin("atom_encoder", "l1")
    wa2, ba2 = lin("atom_encoder", "l2")
    wr1, br1 = lin("residue_encoder", "l1")
    wr2, br2 = lin("residue_encoder", "l2")
    we, be = p["gnn"]["embedding"]["w"], p["gnn"]["embedding"]["b"].reshape(1, -1)

    feat = pl.pallas_call(
        _pre_kernel,
        out_shape=jax.ShapeDtypeStruct((N_NODES, HIDDEN_NF), jnp.float32),
    )(xh_atoms, xh_residues, t.reshape(1, 1),
      wa1, ba1, wa2, ba2, wr1, br1, wr2, br2, we, be)

    featpk = pl.pallas_call(
        _pack_kernel,
        grid=(NT2,),
        in_specs=[
            pl.BlockSpec((TJ, 1), lambda i: (i, 0)),
            pl.BlockSpec((N_NODES, HIDDEN_NF), lambda i: (0, 0)),
        ],
        out_specs=pl.BlockSpec((TJ, HIDDEN_NF), lambda i: (i, 0)),
        out_shape=jax.ShapeDtypeStruct((N2, HIDDEN_NF), jnp.float32),
    )(packsrc.reshape(N2, 1), feat)

    gcl = p["gnn"]["gcl"]

    def stack(path):
        return jnp.stack([path(layer) for layer in gcl])

    def bdiag(w):
        return jnp.kron(jnp.eye(2, dtype=w.dtype), w)

    w1a_s = stack(lambda q: q["edge_mlp"]["l1"]["w"][:HIDDEN_NF, :])
    w1b_s = stack(lambda q: q["edge_mlp"]["l1"]["w"][HIDDEN_NF:, :])
    b1_s = stack(lambda q: q["edge_mlp"]["l1"]["b"].reshape(1, HIDDEN_NF))
    w2d_s = stack(lambda q: bdiag(q["edge_mlp"]["l2"]["w"]))
    b2d_s = stack(lambda q: jnp.tile(q["edge_mlp"]["l2"]["b"].reshape(1, HIDDEN_NF), (1, 2)))
    w3f_s = stack(lambda q: q["node_mlp"]["l1"]["w"][:HIDDEN_NF, :])
    w3a_s = stack(lambda q: q["node_mlp"]["l1"]["w"][HIDDEN_NF:, :])
    b3_s = stack(lambda q: q["node_mlp"]["l1"]["b"].reshape(1, HIDDEN_NF))
    w4_s = stack(lambda q: q["node_mlp"]["l2"]["w"])
    b4_s = stack(lambda q: q["node_mlp"]["l2"]["b"].reshape(1, HIDDEN_NF))

    bias2_s = b2d_s[:, None, :, :] + vbias[None, :, :, :]

    def wspec(shape):
        nd = len(shape) - 1
        return pl.BlockSpec((1,) + shape[1:], lambda l, i: (l,) + (0,) * nd)

    featpk = pl.pallas_call(
        _gcl_kernel,
        grid=(N_LAYERS, NT2 + 2),
        in_specs=[
            pl.BlockSpec(memory_space=pltpu.SMEM),
            pl.BlockSpec((N2, HIDDEN_NF), lambda l, i: (0, 0)),
            wspec(bias2_s.shape),
            wspec(w1a_s.shape), wspec(b1_s.shape), wspec(w1b_s.shape),
            wspec(w2d_s.shape),
            wspec(w3f_s.shape), wspec(w3a_s.shape), wspec(b3_s.shape),
            wspec(w4_s.shape), wspec(b4_s.shape),
        ],
        out_specs=pl.BlockSpec((N2, HIDDEN_NF), lambda l, i: (0, 0)),
        out_shape=jax.ShapeDtypeStruct((N2, HIDDEN_NF), jnp.float32),
        scratch_shapes=[pltpu.VMEM((2, N2, HIDDEN_NF), jnp.float32),
                        pltpu.VMEM((N2, FOLD), jnp.float32),
                        pltpu.VMEM((NT2, TJH, FOLD), jnp.float32),
                        pltpu.VMEM((N2, HIDDEN_NF), jnp.float32)],
    )(bounds, featpk, bias2_s,
      w1a_s, b1_s, w1b_s, w2d_s, w3f_s, w3a_s, b3_s, w4_s, b4_s)

    featu = pl.pallas_call(
        _unpack_kernel,
        grid=(UNT,),
        in_specs=[
            pl.BlockSpec((UT, 1), lambda i: (i, 0)),
            pl.BlockSpec((N2, HIDDEN_NF), lambda i: (0, 0)),
        ],
        out_specs=pl.BlockSpec((UT, HIDDEN_NF), lambda i: (i, 0)),
        out_shape=jax.ShapeDtypeStruct((N_NODES, HIDDEN_NF), jnp.float32),
    )(packdst.reshape(N_NODES, 1), featpk)

    weo, beo = p["gnn"]["embedding_out"]["w"], p["gnn"]["embedding_out"]["b"].reshape(1, -1)
    wad1, bad1 = lin("atom_decoder", "l1")
    wad2, bad2 = lin("atom_decoder", "l2")
    wrd1, brd1 = lin("residue_decoder", "l1")
    wrd2, brd2 = lin("residue_decoder", "l2")

    outa, outr = pl.pallas_call(
        _post_kernel,
        out_shape=(jax.ShapeDtypeStruct((N_ATOMS, N_DIMS + ATOM_NF), jnp.float32),
                   jax.ShapeDtypeStruct((N_RES, N_DIMS + RESIDUE_NF), jnp.float32)),
    )(featu, mask.reshape(N_NODES, 1),
      weo, beo, wad1, bad1, wad2, bad2, wrd1, brd1, wrd2, brd2)

    return outa, outr


def kernel(xh_atoms, xh_residues, xh_intersh, xh_intershp, t,
           mask_atoms, mask_residues, mask_intersh, mask_intershp, params):
    return _run(xh_atoms, xh_residues, t, mask_atoms, mask_residues, params)

# --- scband reference (transcript-rebuilt; emitter-appended) ---
"""Pipeline reference for scband-egnndynamics-20246475833683 (READ-ONLY COPY).

The authoritative reference and input builder live on the scoring server;
editing this copy changes nothing except your own understanding.
"""

import jax, jax.numpy as jnp
import numpy as np

N_DIMS = 3
ATOM_NF = 16
RESIDUE_NF = 21
INTERH_NF = 8
INTERHP_NF = 8
JOINT_NF = 16
HIDDEN_NF = 64
N_LAYERS = 4
NORM_FACTOR = 100.0
N_BATCH = 16
N_ATOMS = 320
N_RES = 1600
N_ISH = 240
N_ISHP = 240


def _lin_init(key, din, dout):
    k1, _ = jax.random.split(key)
    return {"w": jax.random.normal(k1, (din, dout), dtype=jnp.float32) * 0.02,
            "b": jnp.zeros((dout,), dtype=jnp.float32)}


def _lin(p, x):
    return x @ p["w"] + p["b"]


def _mlp2(p, x):
    # Linear -> SiLU -> Linear (encoders/decoders, node_mlp)
    return _lin(p["l2"], jax.nn.silu(_lin(p["l1"], x)))


def _edge_mlp(p, x):
    # Linear -> SiLU -> Linear -> SiLU (GCL edge_mlp)
    return jax.nn.silu(_lin(p["l2"], jax.nn.silu(_lin(p["l1"], x))))


def make_params(key):
    ks = jax.random.split(key, 20)
    params = {
        "atom_encoder": {"l1": _lin_init(ks[0], ATOM_NF, 2 * ATOM_NF), "l2": _lin_init(ks[1], 2 * ATOM_NF, JOINT_NF)},
        "residue_encoder": {"l1": _lin_init(ks[2], RESIDUE_NF, 2 * RESIDUE_NF), "l2": _lin_init(ks[3], 2 * RESIDUE_NF, JOINT_NF)},
        "interh_encoder": {"l1": _lin_init(ks[4], INTERH_NF, 2 * INTERH_NF), "l2": _lin_init(ks[5], 2 * INTERH_NF, JOINT_NF)},
        "interhp_encoder": {"l1": _lin_init(ks[6], INTERHP_NF, 2 * INTERHP_NF), "l2": _lin_init(ks[7], 2 * INTERHP_NF, JOINT_NF)},
        "atom_decoder": {"l1": _lin_init(ks[8], JOINT_NF, 2 * ATOM_NF), "l2": _lin_init(ks[9], 2 * ATOM_NF, ATOM_NF)},
        "residue_decoder": {"l1": _lin_init(ks[10], JOINT_NF, 2 * RESIDUE_NF), "l2": _lin_init(ks[11], 2 * RESIDUE_NF, RESIDUE_NF)},
    }
    dyn_nf = JOINT_NF + 1  # condition_time adds one channel
    gnn = {
        "embedding": _lin_init(ks[12], dyn_nf + N_DIMS, HIDDEN_NF),
        "embedding_out": _lin_init(ks[13], HIDDEN_NF, dyn_nf + N_DIMS),
        "gcl": [],
    }
    for i in range(N_LAYERS):
        kk = jax.random.split(ks[14 + i], 4)
        gnn["gcl"].append({
            "edge_mlp": {"l1": _lin_init(kk[0], 2 * HIDDEN_NF, HIDDEN_NF), "l2": _lin_init(kk[1], HIDDEN_NF, HIDDEN_NF)},
            "node_mlp": {"l1": _lin_init(kk[2], 2 * HIDDEN_NF, HIDDEN_NF), "l2": _lin_init(kk[3], HIDDEN_NF, HIDDEN_NF)},
        })
    params["gnn"] = gnn
    return params


def setup_inputs(seed: int = 0):
    key = jax.random.key(seed)
    ks = jax.random.split(key, 10)
    return {
        "xh_atoms": jax.random.normal(ks[0], (N_ATOMS, N_DIMS + ATOM_NF), dtype=jnp.float32),
        "xh_residues": jax.random.normal(ks[1], (N_RES, N_DIMS + RESIDUE_NF), dtype=jnp.float32),
        "xh_intersh": jax.random.normal(ks[2], (N_ISH, N_DIMS + INTERH_NF), dtype=jnp.float32),
        "xh_intershp": jax.random.normal(ks[3], (N_ISHP, N_DIMS + INTERHP_NF), dtype=jnp.float32),
        "t": jax.random.uniform(ks[4], (1, 1), dtype=jnp.float32),
        "mask_atoms": jnp.sort(jax.random.randint(ks[5], (N_ATOMS,), 0, N_BATCH)),
        "mask_residues": jnp.sort(jax.random.randint(ks[6], (N_RES,), 0, N_BATCH)),
        "mask_intersh": jnp.sort(jax.random.randint(ks[7], (N_ISH,), 0, N_BATCH)),
        "mask_intershp": jnp.sort(jax.random.randint(ks[8], (N_ISHP,), 0, N_BATCH)),
        "params": make_params(ks[9]),
    }


def _forward(xh_atoms, xh_residues, xh_intersh, xh_intershp, t, mask_atoms, mask_residues, rows, cols, edge_mask, params):
    x_atoms = xh_atoms[:, :N_DIMS]
    h_atoms = xh_atoms[:, N_DIMS:]
    x_residues = xh_residues[:, :N_DIMS]
    h_residues = xh_residues[:, N_DIMS:]
    h_atoms = _mlp2(params["atom_encoder"], h_atoms)
    h_residues = _mlp2(params["residue_encoder"], h_residues)
    # computed in the original forward (used only in egnn mode; output-irrelevant in gnn mode)
    _h_ish = _mlp2(params["interh_encoder"], xh_intersh[:, N_DIMS:])
    _h_ishp = _mlp2(params["interhp_encoder"], xh_intershp[:, N_DIMS:])
    x = jnp.concatenate([x_atoms, x_residues], axis=0)
    h = jnp.concatenate([h_atoms, h_residues], axis=0)
    mask = jnp.concatenate([mask_atoms, mask_residues])
    # condition_time with scalar t (matches torch t.item() -> no grad through t)
    tval = jax.lax.stop_gradient(t).reshape(())
    h_time = jnp.full((h.shape[0], 1), 1.0, dtype=h.dtype) * tval
    h = jnp.concatenate([h, h_time], axis=1)
    # gnn_dynamics path: concat coords + features
    xh = jnp.concatenate([x, h], axis=1)
    feat = _lin(params["gnn"]["embedding"], xh)
    n_nodes = feat.shape[0]
    for gp in params["gnn"]["gcl"]:
        src = feat[rows]
        dst = feat[cols]
        mij = _edge_mlp(gp["edge_mlp"], jnp.concatenate([src, dst], axis=1))
        mij = mij * edge_mask
        agg = jax.ops.segment_sum(mij, rows, num_segments=n_nodes) / NORM_FACTOR
        feat = feat + _mlp2(gp["node_mlp"], jnp.concatenate([feat, agg], axis=1))
    out = _lin(params["gnn"]["embedding_out"], feat)
    vel = out[:, :N_DIMS]
    h_final = out[:, N_DIMS:-1]  # drop the time channel
    n_atoms = xh_atoms.shape[0]
    h_final_atoms = _mlp2(params["atom_decoder"], h_final[:n_atoms])
    h_final_residues = _mlp2(params["residue_decoder"], h_final[n_atoms:])
    # remove_mean_batch (update_pocket_coords=True)
    seg_sum = jax.ops.segment_sum(vel, mask, num_segments=N_BATCH)
    counts = jax.ops.segment_sum(jnp.ones((vel.shape[0], 1), dtype=vel.dtype), mask, num_segments=N_BATCH)
    mean = seg_sum / jnp.maximum(counts, 1.0)
    vel = vel - mean[mask]
    return (jnp.concatenate([vel[:n_atoms], h_final_atoms], axis=-1),
            jnp.concatenate([vel[n_atoms:], h_final_residues], axis=-1))


def reference(xh_atoms, xh_residues, xh_intersh, xh_intershp, t, mask_atoms, mask_residues, mask_intersh, mask_intershp, params):
    mask = jnp.concatenate([mask_atoms, mask_residues])
    adj = mask[:, None] == mask[None, :]
    n_nodes = mask_atoms.shape[0] + mask_residues.shape[0]
    max_edges = n_nodes * n_nodes
    rows, cols = jnp.nonzero(adj, size=max_edges, fill_value=0)
    n_edges = jnp.count_nonzero(adj)
    edge_mask = (jnp.arange(max_edges) < n_edges).astype(jnp.float32)[:, None]
    return _forward(xh_atoms, xh_residues, xh_intersh, xh_intershp, t, mask_atoms, mask_residues, rows, cols, edge_mask, params)

if __name__ == "__main__":
    import jax
    _d = setup_inputs()
    print(jax.jit(kernel)(*tuple(_d.values())))

</pallas_src>

<mosaic_0001>
module attributes {stable_mosaic.version = 14 : i64} {
  func.func @_pre_kernel(%arg0: memref<320x19xf32, #tpu.memory_space<vmem>>, %arg1: memref<1600x24xf32, #tpu.memory_space<vmem>>, %arg2: memref<1x1xf32, #tpu.memory_space<vmem>>, %arg3: memref<16x32xf32, #tpu.memory_space<vmem>>, %arg4: memref<1x32xf32, #tpu.memory_space<vmem>>, %arg5: memref<32x16xf32, #tpu.memory_space<vmem>>, %arg6: memref<1x16xf32, #tpu.memory_space<vmem>>, %arg7: memref<21x42xf32, #tpu.memory_space<vmem>>, %arg8: memref<1x42xf32, #tpu.memory_space<vmem>>, %arg9: memref<42x16xf32, #tpu.memory_space<vmem>>, %arg10: memref<1x16xf32, #tpu.memory_space<vmem>>, %arg11: memref<20x64xf32, #tpu.memory_space<vmem>>, %arg12: memref<1x64xf32, #tpu.memory_space<vmem>>, %arg13: memref<1920x64xf32, #tpu.memory_space<vmem>>) attributes {dimension_semantics = [], scalar_prefetch = 0 : i64, scratch_operands = 0 : i64, tpu.core_type = #tpu.core_type<tc>} {
    %get3A = arith.constant 0 : index
    %get3A_0 = arith.constant 0 : index
    %get3A_1 = vector.load %arg0[%get3A, %get3A_0] : memref<320x19xf32, #tpu.memory_space<vmem>>, vector<320x19xf32>
    %get3A_2 = arith.constant 0 : index
    %get3A_3 = arith.constant 0 : index
    %get3A_4 = vector.load %arg1[%get3A_2, %get3A_3] : memref<1600x24xf32, #tpu.memory_space<vmem>>, vector<1600x24xf32>
    %slice3A = vector.extract_strided_slice %get3A_1 {offsets = [0, 3], sizes = [320, 16], strides = [1, 1]} : vector<320x19xf32> to vector<320x16xf32>
    %slice3A_5 = vector.extract_strided_slice %get3A_4 {offsets = [0, 3], sizes = [1600, 21], strides = [1, 1]} : vector<1600x24xf32> to vector<1600x21xf32>
    %get3A_6 = arith.constant 0 : index
    %get3A_7 = arith.constant 0 : index
    %get3A_8 = vector.load %arg3[%get3A_6, %get3A_7] : memref<16x32xf32, #tpu.memory_space<vmem>>, vector<16x32xf32>
    %dot_general3A = arith.constant dense<0.000000e+00> : vector<320x32xf32>
    %dot_general3A_9 = tpu.matmul %slice3A, %get3A_8, %dot_general3A {dimension_numbers = #tpu.dot_dimension_numbers<[1], [0], [0], [1], [0, 0, 1, 1], [], []>, transpose_lhs_hint = false} : vector<320x16xf32>, vector<16x32xf32>, vector<320x32xf32> -> vector<320x32xf32>
    %get3A_10 = arith.constant 0 : index
    %get3A_11 = arith.constant 0 : index
    %get3A_12 = vector.load %arg4[%get3A_10, %get3A_11] : memref<1x32xf32, #tpu.memory_space<vmem>>, vector<1x32xf32>
    %add3A = vector.broadcast %get3A_12 : vector<1x32xf32> to vector<320x32xf32>
    %add3A_13 = arith.addf %dot_general3A_9, %add3A : vector<320x32xf32>
    %mul3A = arith.constant 5.000000e-01 : f32
    %mul3A_14 = vector.broadcast %mul3A : f32 to vector<320x32xf32>
    %mul3A_15 = arith.mulf %mul3A_14, %add3A_13 : vector<320x32xf32>
    %mul3A_16 = arith.constant 5.000000e-01 : f32
    %mul3A_17 = vector.broadcast %mul3A_16 : f32 to vector<320x32xf32>
    %mul3A_18 = arith.mulf %mul3A_17, %add3A_13 : vector<320x32xf32>
    %tanh3A = math.tanh %mul3A_18 : vector<320x32xf32>
    %add3A_19 = arith.constant 1.000000e+00 : f32
    %add3A_20 = vector.broadcast %add3A_19 : f32 to vector<320x32xf32>
    %add3A_21 = arith.addf %add3A_20, %tanh3A : vector<320x32xf32>
    %mul3A_22 = arith.mulf %mul3A_15, %add3A_21 : vector<320x32xf32>
    %get3A_23 = arith.constant 0 : index
    %get3A_24 = arith.constant 0 : index
    %get3A_25 = vector.load %arg5[%get3A_23, %get3A_24] : memref<32x16xf32, #tpu.memory_space<vmem>>, vector<32x16xf32>
    %dot_general3A_26 = arith.constant dense<0.000000e+00> : vector<320x16xf32>
    %dot_general3A_27 = tpu.matmul %mul3A_22, %get3A_25, %dot_general3A_26 {dimension_numbers = #tpu.dot_dimension_numbers<[1], [0], [0], [1], [0, 0, 1, 1], [], []>, transpose_lhs_hint = false} : vector<320x32xf32>, vector<32x16xf32>, vector<320x16xf32> -> vector<320x16xf32>
    %get3A_28 = arith.constant 0 : index
    %get3A_29 = arith.constant 0 : index
    %get3A_30 = vector.load %arg6[%get3A_28, %get3A_29] : memref<1x16xf32, #tpu.memory_space<vmem>>, vector<1x16xf32>
    %add3A_31 = vector.broadcast %get3A_30 : vector<1x16xf32> to vector<320x16xf32>
    %add3A_32 = arith.addf %dot_general3A_27, %add3A_31 : vector<320x16xf32>
    %get3A_33 = arith.constant 0 : index
    %get3A_34 = arith.constant 0 : index
    %get3A_35 = vector.load %arg7[%get3A_33, %get3A_34] : memref<21x42xf32, #tpu.memory_space<vmem>>, vector<21x42xf32>
    %dot_general3A_36 = arith.constant dense<0.000000e+00> : vector<1600x42xf32>
    %dot_general3A_37 = tpu.matmul %slice3A_5, %get3A_35, %dot_general3A_36 {dimension_numbers = #tpu.dot_dimension_numbers<[1], [0], [0], [1], [0, 0, 1, 1], [], []>, transpose_lhs_hint = false} : vector<1600x21xf32>, vector<21x42xf32>, vector<1600x42xf32> -> vector<1600x42xf32>
    %get3A_38 = arith.constant 0 : index
    %get3A_39 = arith.constant 0 : index
    %get3A_40 = vector.load %arg8[%get3A_38, %get3A_39] : memref<1x42xf32, #tpu.memory_space<vmem>>, vector<1x42xf32>
    %add3A_41 = vector.broadcast %get3A_40 : vector<1x42xf32> to vector<1600x42xf32>
    %add3A_42 = arith.addf %dot_general3A_37, %add3A_41 : vector<1600x42xf32>
    %mul3A_43 = arith.constant 5.000000e-01 : f32
    %mul3A_44 = vector.broadcast %mul3A_43 : f32 to vector<1600x42xf32>
    %mul3A_45 = arith.mulf %mul3A_44, %add3A_42 : vector<1600x42xf32>
    %mul3A_46 = arith.constant 5.000000e-01 : f32
    %mul3A_47 = vector.broadcast %mul3A_46 : f32 to vector<1600x42xf32>
    %mul3A_48 = arith.mulf %mul3A_47, %add3A_42 : vector<1600x42xf32>
    %tanh3A_49 = math.tanh %mul3A_48 : vector<1600x42xf32>
    %add3A_50 = arith.constant 1.000000e+00 : f32
    %add3A_51 = vector.broadcast %add3A_50 : f32 to vector<1600x42xf32>
    %add3A_52 = arith.addf %add3A_51, %tanh3A_49 : vector<1600x42xf32>
    %mul3A_53 = arith.mulf %mul3A_45, %add3A_52 : vector<1600x42xf32>
    %get3A_54 = arith.constant 0 : index
    %get3A_55 = arith.constant 0 : index
    %get3A_56 = vector.load %arg9[%get3A_54, %get3A_55] : memref<42x16xf32, #tpu.memory_space<vmem>>, vector<42x16xf32>
    %dot_general3A_57 = arith.constant dense<0.000000e+00> : vector<1600x16xf32>
    %dot_general3A_58 = tpu.matmul %mul3A_53, %get3A_56, %dot_general3A_57 {dimension_numbers = #tpu.dot_dimension_numbers<[1], [0], [0], [1], [0, 0, 1, 1], [], []>, transpose_lhs_hint = false} : vector<1600x42xf32>, vector<42x16xf32>, vector<1600x16xf32> -> vector<1600x16xf32>
    %get3A_59 = arith.constant 0 : index
    %get3A_60 = arith.constant 0 : index
    %get3A_61 = vector.load %arg10[%get3A_59, %get3A_60] : memref<1x16xf32, #tpu.memory_space<vmem>>, vector<1x16xf32>
    %add3A_62 = vector.broadcast %get3A_61 : vector<1x16xf32> to vector<1600x16xf32>
    %add3A_63 = arith.addf %dot_general3A_58, %add3A_62 : vector<1600x16xf32>
    %get3A_64 = arith.constant 0 : index
    %get3A_65 = arith.constant 0 : index
    %get3A_66 = vector.load %arg11[%get3A_64, %get3A_65] : memref<20x64xf32, #tpu.memory_space<vmem>>, vector<20x64xf32>
    %slice3A_67 = vector.extract_strided_slice %get3A_66 {offsets = [0, 0], sizes = [3, 64], strides = [1, 1]} : vector<20x64xf32> to vector<3x64xf32>
    %slice3A_68 = vector.extract_strided_slice %get3A_66 {offsets = [3, 0], sizes = [16, 64], strides = [1, 1]} : vector<20x64xf32> to vector<16x64xf32>
    %slice3A_69 = vector.extract_strided_slice %get3A_66 {offsets = [19, 0], sizes = [1, 64], strides = [1, 1]} : vector<20x64xf32> to vector<1x64xf32>
    %get3A_70 = arith.constant 0 : index
    %get3A_71 = arith.constant 0 : index
    %get3A_72 = vector.load %arg2[%get3A_70, %get3A_71] : memref<1x1xf32, #tpu.memory_space<vmem>>, vector<1x1xf32>
    %mul3A_73 = vector.broadcast %get3A_72 : vector<1x1xf32> to vector<1x64xf32>
    %mul3A_74 = arith.mulf %mul3A_73, %slice3A_69 : vector<1x64xf32>
    %slice3A_75 = vector.extract_strided_slice %get3A_1 {offsets = [0, 0], sizes = [320, 3], strides = [1, 1]} : vector<320x19xf32> to vector<320x3xf32>
    %dot_general3A_76 = arith.constant dense<0.000000e+00> : vector<320x64xf32>
    %dot_general3A_77 = tpu.matmul %slice3A_75, %slice3A_67, %dot_general3A_76 {dimension_numbers = #tpu.dot_dimension_numbers<[1], [0], [0], [1], [0, 0, 1, 1], [], []>, transpose_lhs_hint = false} : vector<320x3xf32>, vector<3x64xf32>, vector<320x64xf32> -> vector<320x64xf32>
    %dot_general3A_78 = arith.constant dense<0.000000e+00> : vector<320x64xf32>
    %dot_general3A_79 = tpu.matmul %add3A_32, %slice3A_68, %dot_general3A_78 {dimension_numbers = #tpu.dot_dimension_numbers<[1], [0], [0], [1], [0, 0, 1, 1], [], []>, transpose_lhs_hint = false} : vector<320x16xf32>, vector<16x64xf32>, vector<320x64xf32> -> vector<320x64xf32>
    %add3A_80 = arith.addf %dot_general3A_77, %dot_general3A_79 : vector<320x64xf32>
    %add3A_81 = vector.broadcast %mul3A_74 : vector<1x64xf32> to vector<320x64xf32>
    %add3A_82 = arith.addf %add3A_80, %add3A_81 : vector<320x64xf32>
    %get3A_83 = arith.constant 0 : index
    %get3A_84 = arith.constant 0 : index
    %get3A_85 = vector.load %arg12[%get3A_83, %get3A_84] : memref<1x64xf32, #tpu.memory_space<vmem>>, vector<1x64xf32>
    %add3A_86 = vector.broadcast %get3A_85 : vector<1x64xf32> to vector<320x64xf32>
    %add3A_87 = arith.addf %add3A_82, %add3A_86 : vector<320x64xf32>
    %slice3A_88 = vector.extract_strided_slice %get3A_4 {offsets = [0, 0], sizes = [1600, 3], strides = [1, 1]} : vector<1600x24xf32> to vector<1600x3xf32>
    %dot_general3A_89 = arith.constant dense<0.000000e+00> : vector<1600x64xf32>
    %dot_general3A_90 = tpu.matmul %slice3A_88, %slice3A_67, %dot_general3A_89 {dimension_numbers = #tpu.dot_dimension_numbers<[1], [0], [0], [1], [0, 0, 1, 1], [], []>, transpose_lhs_hint = false} : vector<1600x3xf32>, vector<3x64xf32>, vector<1600x64xf32> -> vector<1600x64xf32>
    %dot_general3A_91 = arith.constant dense<0.000000e+00> : vector<1600x64xf32>
    %dot_general3A_92 = tpu.matmul %add3A_63, %slice3A_68, %dot_general3A_91 {dimension_numbers = #tpu.dot_dimension_numbers<[1], [0], [0], [1], [0, 0, 1, 1], [], []>, transpose_lhs_hint = false} : vector<1600x16xf32>, vector<16x64xf32>, vector<1600x64xf32> -> vector<1600x64xf32>
    %add3A_93 = arith.addf %dot_general3A_90, %dot_general3A_92 : vector<1600x64xf32>
    %add3A_94 = vector.broadcast %mul3A_74 : vector<1x64xf32> to vector<1600x64xf32>
    %add3A_95 = arith.addf %add3A_93, %add3A_94 : vector<1600x64xf32>
    %get3A_96 = arith.constant 0 : index
    %get3A_97 = arith.constant 0 : index
    %get3A_98 = vector.load %arg12[%get3A_96, %get3A_97] : memref<1x64xf32, #tpu.memory_space<vmem>>, vector<1x64xf32>
    %add3A_99 = vector.broadcast %get3A_98 : vector<1x64xf32> to vector<1600x64xf32>
    %add3A_100 = arith.addf %add3A_95, %add3A_99 : vector<1600x64xf32>
    %swap3A = arith.constant 0 : index
    %swap3A_101 = arith.constant 0 : index
    %swap3A_102 = vector.load %arg13[%swap3A, %swap3A_101] : memref<1920x64xf32, #tpu.memory_space<vmem>>, vector<320x64xf32>
    tpu.vector_store %arg13[%swap3A, %swap3A_101], %add3A_87 {strides = array<i32>} : memref<1920x64xf32, #tpu.memory_space<vmem>>, vector<320x64xf32>,
    %swap3A_103 = arith.constant 320 : index
    %swap3A_104 = arith.constant 0 : index
    %swap3A_105 = vector.load %arg13[%swap3A_103, %swap3A_104] : memref<1920x64xf32, #tpu.memory_space<vmem>>, vector<1600x64xf32>
    tpu.vector_store %arg13[%swap3A_103, %swap3A_104], %add3A_100 {strides = array<i32>} : memref<1920x64xf32, #tpu.memory_space<vmem>>, vector<1600x64xf32>,
    return
  }
}

module attributes {stable_mosaic.version = 14 : i64} {
  func.func @_pack_kernel(%arg0: i32, %arg1: memref<128x1xi32, #tpu.memory_space<vmem>>, %arg2: memref<1920x64xf32, #tpu.memory_space<vmem>>, %arg3: memref<128x64xf32, #tpu.memory_space<vmem>>) attributes {dimension_semantics = [#tpu.dimension_semantics<arbitrary>], iteration_bounds = array<i64: 32>, scalar_prefetch = 0 : i64, scratch_operands = 0 : i64, tpu.core_type = #tpu.core_type<tc>, window_params = [{transform_indices = @transform_0, window_bounds = array<i64: 128, 1>}, {pipeline_mode = #tpu.pipeline_mode<synchronous>, transform_indices = @transform_1, window_bounds = array<i64: 1920, 64>}, {transform_indices = @transform_2, window_bounds = array<i64: 128, 64>}]} {
    %iota3A = tpu.iota {dimensions = array<i32: 1>} : vector<128x1920xi32>
    %get3A = arith.constant 0 : index
    %get3A_0 = arith.constant 0 : index
    %get3A_1 = vector.load %arg1[%get3A, %get3A_0] : memref<128x1xi32, #tpu.memory_space<vmem>>, vector<128x1xi32>
    %eq3A = vector.broadcast %get3A_1 : vector<128x1xi32> to vector<128x1920xi32>
    %eq3A_2 = arith.cmpi eq, %eq3A, %iota3A : vector<128x1920xi32>
    %convert_element_type3A = arith.extui %eq3A_2 : vector<128x1920xi1> to vector<128x1920xi32>
    %convert_element_type3A_3 = arith.sitofp %convert_element_type3A : vector<128x1920xi32> to vector<128x1920xf32>
    %get3A_4 = arith.constant 0 : index
    %get3A_5 = arith.constant 0 : index
    %get3A_6 = vector.load %arg2[%get3A_4, %get3A_5] : memref<1920x64xf32, #tpu.memory_space<vmem>>, vector<1920x64xf32>
    %dot_general3A = arith.constant dense<0.000000e+00> : vector<128x64xf32>
    %dot_general3A_7 = tpu.matmul %convert_element_type3A_3, %get3A_6, %dot_general3A {dimension_numbers = #tpu.dot_dimension_numbers<[1], [0], [0], [1], [0, 0, 1, 1], [], []>, transpose_lhs_hint = false} : vector<128x1920xf32>, vector<1920x64xf32>, vector<128x64xf32> -> vector<128x64xf32>
    %swap3A = arith.constant 0 : index
    %swap3A_8 = arith.constant 0 : index
    %swap3A_9 = vector.load %arg3[%swap3A, %swap3A_8] : memref<128x64xf32, #tpu.memory_space<vmem>>, vector<128x64xf32>
    tpu.vector_store %arg3[%swap3A, %swap3A_8], %dot_general3A_7 {strides = array<i32>} : memref<128x64xf32, #tpu.memory_space<vmem>>, vector<128x64xf32>,
    return
  }
  func.func @transform_0(%arg0: i32) -> (i32, i32) {
    %c0_i32 = arith.constant 0 : i32
    %c0_i32_0 = arith.constant 0 : i32
    return %arg0, %c0_i32 : i32, i32
  }
  func.func @transform_1(%arg0: i32) -> (i32, i32) {
    %c0_i32 = arith.constant 0 : i32
    %c0_i32_0 = arith.constant 0 : i32
    %c0_i32_1 = arith.constant 0 : i32
    return %c0_i32, %c0_i32_0 : i32, i32
  }
  func.func @transform_2(%arg0: i32) -> (i32, i32) {
    %c0_i32 = arith.constant 0 : i32
    %c0_i32_0 = arith.constant 0 : i32
    return %arg0, %c0_i32 : i32, i32
  }
}

module attributes {stable_mosaic.version = 14 : i64} {
  func.func @_gcl_kernel(%arg0: i32, %arg1: i32, %arg2: memref<2x32xi32, #tpu.memory_space<smem>>, %arg3: memref<4096x64xf32, #tpu.memory_space<vmem>>, %arg4: memref<1x32x64x128xf32, #tpu.memory_space<vmem>>, %arg5: memref<1x64x64xf32, #tpu.memory_space<vmem>>, %arg6: memref<1x1x64xf32, #tpu.memory_space<vmem>>, %arg7: memref<1x64x64xf32, #tpu.memory_space<vmem>>, %arg8: memref<1x128x128xf32, #tpu.memory_space<vmem>>, %arg9: memref<1x64x64xf32, #tpu.memory_space<vmem>>, %arg10: memref<1x64x64xf32, #tpu.memory_space<vmem>>, %arg11: memref<1x1x64xf32, #tpu.memory_space<vmem>>, %arg12: memref<1x64x64xf32, #tpu.memory_space<vmem>>, %arg13: memref<1x1x64xf32, #tpu.memory_space<vmem>>, %arg14: memref<4096x64xf32, #tpu.memory_space<vmem>>, %arg15: memref<2x4096x64xf32, #tpu.memory_space<vmem>>, %arg16: memref<4096x128xf32, #tpu.memory_space<vmem>>, %arg17: memref<32x64x128xf32, #tpu.memory_space<vmem>>, %arg18: memref<4096x64xf32, #tpu.memory_space<vmem>>) attributes {dimension_semantics = [#tpu.dimension_semantics<arbitrary>, #tpu.dimension_semantics<arbitrary>], iteration_bounds = array<i64: 4, 34>, scalar_prefetch = 0 : i64, scratch_operands = 4 : i64, tpu.core_type = #tpu.core_type<tc>, window_params = [{transform_indices = @transform_0, window_bounds = array<i64: 2, 32>}, {pipeline_mode = #tpu.pipeline_mode<synchronous>, transform_indices = @transform_1, window_bounds = array<i64: 4096, 64>}, {transform_indices = @transform_2, window_bounds = array<i64: 1, 32, 64, 128>}, {transform_indices = @transform_3, window_bounds = array<i64: 1, 64, 64>}, {transform_indices = @transform_4, window_bounds = array<i64: 1, 1, 64>}, {transform_indices = @transform_5, window_bounds = array<i64: 1, 64, 64>}, {transform_indices = @transform_6, window_bounds = array<i64: 1, 128, 128>}, {transform_indices = @transform_7, window_bounds = array<i64: 1, 64, 64>}, {transform_indices = @transform_8, window_bounds = array<i64: 1, 64, 64>}, {transform_indices = @transform_9, window_bounds = array<i64: 1, 1, 64>}, {transform_indices = @transform_10, window_bounds = array<i64: 1, 64, 64>}, {transform_indices = @transform_11, window_bounds = array<i64: 1, 1, 64>}, {pipeline_mode = #tpu.pipeline_mode<synchronous>, transform_indices = @transform_12, window_bounds = array<i64: 4096, 64>}]} {
    %rem3A = arith.constant 2 : i32
    %rem3A_0 = arith.remsi %arg0, %rem3A : i32
    %sub3A = arith.constant 1 : i32
    %sub3A_1 = arith.subi %sub3A, %rem3A_0 : i32
    %eq3A = arith.constant 0 : i32
    %eq3A_2 = arith.cmpi eq, %arg1, %eq3A : i32
    %convert_element_type3A = arith.extui %eq3A_2 : i1 to i32
    %cond3A = arith.constant 0 : i32
    %cond3A_3 = arith.cmpi ne, %convert_element_type3A, %cond3A : i32
    scf.if %cond3A_3 {
      %eq3A_14 = arith.constant 0 : i32
      %eq3A_15 = arith.cmpi eq, %arg0, %eq3A_14 : i32
      %convert_element_type3A_16 = arith.extui %eq3A_15 : i1 to i32
      %cond3A_17 = arith.constant 0 : i32
      %cond3A_18 = arith.cmpi ne, %convert_element_type3A_16, %cond3A_17 : i32
      scf.if %cond3A_18 {
        %get3A_51 = arith.constant 0 : index
        %get3A_52 = arith.constant 0 : index
        %get3A_53 = vector.load %arg3[%get3A_51, %get3A_52] : memref<4096x64xf32, #tpu.memory_space<vmem>>, vector<4096x64xf32>
        %swap3A_54 = arith.constant 0 : index
        %swap3A_55 = arith.constant 0 : index
        %swap3A_56 = arith.constant 0 : index
        %swap3A_57 = vector.load %arg15[%swap3A_54, %swap3A_55, %swap3A_56] : memref<2x4096x64xf32, #tpu.memory_space<vmem>>, vector<1x4096x64xf32>
        %swap3A_58 = vector.shape_cast %swap3A_57 : vector<1x4096x64xf32> to vector<4096x64xf32>
        %swap3A_59 = vector.shape_cast %get3A_53 : vector<4096x64xf32> to vector<1x4096x64xf32>
        tpu.vector_store %arg15[%swap3A_54, %swap3A_55, %swap3A_56], %swap3A_59 {strides = array<i32>} : memref<2x4096x64xf32, #tpu.memory_space<vmem>>, vector<1x4096x64xf32>,
      } else {
      }
      %get3A = arith.index_cast %rem3A_0 : i32 to index
      %get3A_19 = arith.constant 0 : index
      %get3A_20 = arith.constant 0 : index
      %get3A_21 = vector.load %arg15[%get3A, %get3A_19, %get3A_20] : memref<2x4096x64xf32, #tpu.memory_space<vmem>>, vector<1x4096x64xf32>
      %get3A_22 = vector.shape_cast %get3A_21 : vector<1x4096x64xf32> to vector<4096x64xf32>
      %get3A_23 = arith.constant 0 : index
      %get3A_24 = arith.constant 0 : index
      %get3A_25 = arith.constant 0 : index
      %get3A_26 = vector.load %arg5[%get3A_23, %get3A_24, %get3A_25] : memref<1x64x64xf32, #tpu.memory_space<vmem>>, vector<1x64x64xf32>
      %get3A_27 = vector.shape_cast %get3A_26 : vector<1x64x64xf32> to vector<64x64xf32>
      %dot_general3A = arith.constant dense<0.000000e+00> : vector<4096x64xf32>
      %dot_general3A_28 = tpu.matmul %get3A_22, %get3A_27, %dot_general3A {dimension_numbers = #tpu.dot_dimension_numbers<[1], [0], [0], [1], [0, 0, 1, 1], [], []>, transpose_lhs_hint = false} : vector<4096x64xf32>, vector<64x64xf32>, vector<4096x64xf32> -> vector<4096x64xf32>
      %get3A_29 = arith.constant 0 : index
      %get3A_30 = arith.constant 0 : index
      %get3A_31 = arith.constant 0 : index
      %get3A_32 = vector.load %arg6[%get3A_29, %get3A_30, %get3A_31] : memref<1x1x64xf32, #tpu.memory_space<vmem>>, vector<1x1x64xf32>
      %get3A_33 = vector.shape_cast %get3A_32 : vector<1x1x64xf32> to vector<1x64xf32>
      %add3A = vector.broadcast %get3A_33 : vector<1x64xf32> to vector<4096x64xf32>
      %add3A_34 = arith.addf %dot_general3A_28, %add3A : vector<4096x64xf32>
      %concatenate3A = tpu.concatenate %add3A_34, %add3A_34 in 1 : vector<4096x64xf32>, vector<4096x64xf32> -> vector<4096x128xf32>
      %swap3A = arith.constant 0 : index
      %swap3A_35 = arith.constant 0 : index
      %swap3A_36 = vector.load %arg16[%swap3A, %swap3A_35] : memref<4096x128xf32, #tpu.memory_space<vmem>>, vector<4096x128xf32>
      tpu.vector_store %arg16[%swap3A, %swap3A_35], %concatenate3A {strides = array<i32>} : memref<4096x128xf32, #tpu.memory_space<vmem>>, vector<4096x128xf32>,
      %get3A_37 = arith.constant 0 : index
      %get3A_38 = arith.constant 0 : index
      %get3A_39 = arith.constant 0 : index
      %get3A_40 = vector.load %arg7[%get3A_37, %get3A_38, %get3A_39] : memref<1x64x64xf32, #tpu.memory_space<vmem>>, vector<1x64x64xf32>
      %get3A_41 = vector.shape_cast %get3A_40 : vector<1x64x64xf32> to vector<64x64xf32>
      %dot_general3A_42 = arith.constant dense<0.000000e+00> : vector<4096x64xf32>
      %dot_general3A_43 = tpu.matmul %get3A_22, %get3A_41, %dot_general3A_42 {dimension_numbers = #tpu.dot_dimension_numbers<[1], [0], [0], [1], [0, 0, 1, 1], [], []>, transpose_lhs_hint = false} : vector<4096x64xf32>, vector<64x64xf32>, vector<4096x64xf32> -> vector<4096x64xf32>
      %reshape3A = vector.shape_cast %dot_general3A_43 : vector<4096x64xf32> to vector<32x2x64x64xf32>
      %slice3A = vector.extract_strided_slice %reshape3A {offsets = [0, 0, 0, 0], sizes = [32, 1, 64, 64], strides = [1, 1, 1, 1]} : vector<32x2x64x64xf32> to vector<32x1x64x64xf32>
      %squeeze3A = vector.shape_cast %slice3A : vector<32x1x64x64xf32> to vector<32x64x64xf32>
      %slice3A_44 = vector.extract_strided_slice %reshape3A {offsets = [0, 1, 0, 0], sizes = [32, 1, 64, 64], strides = [1, 1, 1, 1]} : vector<32x2x64x64xf32> to vector<32x1x64x64xf32>
      %squeeze3A_45 = vector.shape_cast %slice3A_44 : vector<32x1x64x64xf32> to vector<32x64x64xf32>
      %concatenate3A_46 = tpu.concatenate %squeeze3A, %squeeze3A_45 in 2 : vector<32x64x64xf32>, vector<32x64x64xf32> -> vector<32x64x128xf32>
      %swap3A_47 = arith.constant 0 : index
      %swap3A_48 = arith.constant 0 : index
      %swap3A_49 = arith.constant 0 : index
      %swap3A_50 = vector.load %arg17[%swap3A_47, %swap3A_48, %swap3A_49] : memref<32x64x128xf32, #tpu.memory_space<vmem>>, vector<32x64x128xf32>
      tpu.vector_store %arg17[%swap3A_47, %swap3A_48, %swap3A_49], %concatenate3A_46 {strides = array<i32>} : memref<32x64x128xf32, #tpu.memory_space<vmem>>, vector<32x64x128xf32>,
    } else {
    }
    %ge3A = arith.constant 1 : i32
    %ge3A_4 = arith.cmpi sge, %arg1, %ge3A : i32
    %le3A = arith.constant 32 : i32
    %le3A_5 = arith.cmpi sle, %arg1, %le3A : i32
    %and3A = arith.andi %ge3A_4, %le3A_5 : i1
    %convert_element_type3A_6 = arith.extui %and3A : i1 to i32
    %cond3A_7 = arith.constant 0 : i32
    %cond3A_8 = arith.cmpi ne, %convert_element_type3A_6, %cond3A_7 : i32
    scf.if %cond3A_8 {
      %sub3A_14 = arith.constant 1 : i32
      %sub3A_15 = arith.subi %arg1, %sub3A_14 : i32
      %mul3A = arith.constant 128 : i32
      %mul3A_16 = arith.muli %sub3A_15, %mul3A : i32
      %multiple_of3A = tpu.assume_multiple %mul3A_16, 128 : i32
      %get3A = arith.index_cast %multiple_of3A : i32 to index
      %get3A_17 = arith.constant 0 : index
      %get3A_18 = vector.load %arg16[%get3A, %get3A_17] : memref<4096x128xf32, #tpu.memory_space<vmem>>, vector<128x128xf32>
      %get3A_19 = arith.constant 0 : index
      %get3A_20 = arith.index_cast %sub3A_15 : i32 to index
      %get3A_21 = memref.load %arg2[%get3A_19, %get3A_20] : memref<2x32xi32, #tpu.memory_space<smem>>
      %get3A_22 = arith.constant 1 : index
      %get3A_23 = arith.index_cast %sub3A_15 : i32 to index
      %get3A_24 = memref.load %arg2[%get3A_22, %get3A_23] : memref<2x32xi32, #tpu.memory_space<smem>>
      %add3A = arith.constant 1 : i32
      %add3A_25 = arith.addi %get3A_24, %add3A : i32
      %broadcast_in_dim3A = arith.constant 0.000000e+00 : f32
      %broadcast_in_dim3A_26 = vector.broadcast %broadcast_in_dim3A : f32 to vector<128x64xf32>
      %while3A = arith.subi %add3A_25, %get3A_21 : i32
      %while3A_27 = arith.addi %get3A_21, %while3A : i32
      %while3A_28 = arith.constant 1 : i32
      %while3A_29 = arith.divsi %while3A, %while3A_28 : i32
      %while3A_30 = arith.muli %while3A_29, %while3A_28 : i32
      %while3A_31 = arith.addi %get3A_21, %while3A_30 : i32
      %while3A_32 = arith.constant 1 : i32
      %while3A_33 = scf.for %while3A_38 = %get3A_21 to %while3A_31 step %while3A_32 iter_args(%while3A_39 = %broadcast_in_dim3A_26) -> (vector<128x64xf32>)  : i32 {
        %get3A_40 = arith.index_cast %while3A_38 : i32 to index
        %get3A_41 = arith.constant 0 : index
        %get3A_42 = arith.constant 0 : index
        %get3A_43 = vector.load %arg17[%get3A_40, %get3A_41, %get3A_42] : memref<32x64x128xf32, #tpu.memory_space<vmem>>, vector<1x64x128xf32>
        %get3A_44 = vector.shape_cast %get3A_43 : vector<1x64x128xf32> to vector<64x128xf32>
        %broadcast_in_dim3A_45 = vector.shape_cast %get3A_18 : vector<128x128xf32> to vector<128x1x128xf32>
        %broadcast_in_dim3A_46 = vector.shape_cast %get3A_44 : vector<64x128xf32> to vector<1x64x128xf32>
        %add3A_47 = vector.broadcast %broadcast_in_dim3A_45 : vector<128x1x128xf32> to vector<128x64x128xf32>
        %add3A_48 = vector.broadcast %broadcast_in_dim3A_46 : vector<1x64x128xf32> to vector<128x64x128xf32>
        %add3A_49 = arith.addf %add3A_47, %add3A_48 : vector<128x64x128xf32>
        %mul3A_50 = arith.constant 5.000000e-01 : f32
        %mul3A_51 = vector.broadcast %mul3A_50 : f32 to vector<128x64x128xf32>
        %mul3A_52 = arith.mulf %mul3A_51, %add3A_49 : vector<128x64x128xf32>
        %mul3A_53 = arith.constant 5.000000e-01 : f32
        %mul3A_54 = vector.broadcast %mul3A_53 : f32 to vector<128x64x128xf32>
        %mul3A_55 = arith.mulf %mul3A_54, %add3A_49 : vector<128x64x128xf32>
        %tanh3A = math.tanh %mul3A_55 : vector<128x64x128xf32>
        %add3A_56 = arith.constant 1.000000e+00 : f32
        %add3A_57 = vector.broadcast %add3A_56 : f32 to vector<128x64x128xf32>
        %add3A_58 = arith.addf %add3A_57, %tanh3A : vector<128x64x128xf32>
        %mul3A_59 = arith.mulf %mul3A_52, %add3A_58 : vector<128x64x128xf32>
        %reshape3A = vector.shape_cast %mul3A_59 : vector<128x64x128xf32> to vector<8192x128xf32>
        %get3A_60 = arith.constant 0 : index
        %get3A_61 = arith.constant 0 : index
        %get3A_62 = arith.constant 0 : index
        %get3A_63 = vector.load %arg8[%get3A_60, %get3A_61, %get3A_62] : memref<1x128x128xf32, #tpu.memory_space<vmem>>, vector<1x128x128xf32>
        %get3A_64 = vector.shape_cast %get3A_63 : vector<1x128x128xf32> to vector<128x128xf32>
        %dot_general3A = arith.constant dense<0.000000e+00> : vector<8192x128xf32>
        %dot_general3A_65 = tpu.matmul %reshape3A, %get3A_64, %dot_general3A {dimension_numbers = #tpu.dot_dimension_numbers<[1], [0], [0], [1], [0, 0, 1, 1], [], []>, transpose_lhs_hint = false} : vector<8192x128xf32>, vector<128x128xf32>, vector<8192x128xf32> -> vector<8192x128xf32>
        %reshape3A_66 = vector.shape_cast %dot_general3A_65 : vector<8192x128xf32> to vector<128x64x128xf32>
        %get3A_67 = arith.constant 0 : index
        %get3A_68 = arith.index_cast %while3A_38 : i32 to index
        %get3A_69 = arith.constant 0 : index
        %get3A_70 = arith.constant 0 : index
        %get3A_71 = vector.load %arg4[%get3A_67, %get3A_68, %get3A_69, %get3A_70] : memref<1x32x64x128xf32, #tpu.memory_space<vmem>>, vector<1x1x64x128xf32>
        %get3A_72 = vector.shape_cast %get3A_71 : vector<1x1x64x128xf32> to vector<64x128xf32>
        %broadcast_in_dim3A_73 = vector.shape_cast %get3A_72 : vector<64x128xf32> to vector<1x64x128xf32>
        %add3A_74 = vector.broadcast %broadcast_in_dim3A_73 : vector<1x64x128xf32> to vector<128x64x128xf32>
        %add3A_75 = arith.addf %reshape3A_66, %add3A_74 : vector<128x64x128xf32>
        %mul3A_76 = arith.constant 5.000000e-01 : f32
        %mul3A_77 = vector.broadcast %mul3A_76 : f32 to vector<128x64x128xf32>
        %mul3A_78 = arith.mulf %mul3A_77, %add3A_75 : vector<128x64x128xf32>
        %mul3A_79 = arith.constant 5.000000e-01 : f32
        %mul3A_80 = vector.broadcast %mul3A_79 : f32 to vector<128x64x128xf32>
        %mul3A_81 = arith.mulf %mul3A_80, %add3A_75 : vector<128x64x128xf32>
        %tanh3A_82 = math.tanh %mul3A_81 : vector<128x64x128xf32>
        %add3A_83 = arith.constant 1.000000e+00 : f32
        %add3A_84 = vector.broadcast %add3A_83 : f32 to vector<128x64x128xf32>
        %add3A_85 = arith.addf %add3A_84, %tanh3A_82 : vector<128x64x128xf32>
        %mul3A_86 = arith.mulf %mul3A_78, %add3A_85 : vector<128x64x128xf32>
        %reduce_sum3A = arith.constant dense<0.000000e+00> : vector<128x128xf32>
        %reduce_sum3A_87 = vector.multi_reduction <add>, %mul3A_86, %reduce_sum3A [1] : vector<128x64x128xf32> to vector<128x128xf32>
        %slice3A = vector.extract_strided_slice %reduce_sum3A_87 {offsets = [0, 0], sizes = [128, 64], strides = [1, 1]} : vector<128x128xf32> to vector<128x64xf32>
        %add3A_88 = arith.addf %while3A_39, %slice3A : vector<128x64xf32>
        %slice3A_89 = vector.extract_strided_slice %reduce_sum3A_87 {offsets = [0, 64], sizes = [128, 64], strides = [1, 1]} : vector<128x128xf32> to vector<128x64xf32>
        %add3A_90 = arith.addf %add3A_88, %slice3A_89 : vector<128x64xf32>
        scf.yield %add3A_90 : vector<128x64xf32>
      }
      %while3A_34 = arith.constant 1 : i32
      %while3A_35 = scf.for %while3A_38 = %while3A_31 to %while3A_27 step %while3A_34 iter_args(%while3A_39 = %while3A_33) -> (vector<128x64xf32>)  : i32 {
        %get3A_40 = arith.index_cast %while3A_38 : i32 to index
        %get3A_41 = arith.constant 0 : index
        %get3A_42 = arith.constant 0 : index
        %get3A_43 = vector.load %arg17[%get3A_40, %get3A_41, %get3A_42] : memref<32x64x128xf32, #tpu.memory_space<vmem>>, vector<1x64x128xf32>
        %get3A_44 = vector.shape_cast %get3A_43 : vector<1x64x128xf32> to vector<64x128xf32>
        %broadcast_in_dim3A_45 = vector.shape_cast %get3A_18 : vector<128x128xf32> to vector<128x1x128xf32>
        %broadcast_in_dim3A_46 = vector.shape_cast %get3A_44 : vector<64x128xf32> to vector<1x64x128xf32>
        %add3A_47 = vector.broadcast %broadcast_in_dim3A_45 : vector<128x1x128xf32> to vector<128x64x128xf32>
        %add3A_48 = vector.broadcast %broadcast_in_dim3A_46 : vector<1x64x128xf32> to vector<128x64x128xf32>
        %add3A_49 = arith.addf %add3A_47, %add3A_48 : vector<128x64x128xf32>
        %mul3A_50 = arith.constant 5.000000e-01 : f32
        %mul3A_51 = vector.broadcast %mul3A_50 : f32 to vector<128x64x128xf32>
        %mul3A_52 = arith.mulf %mul3A_51, %add3A_49 : vector<128x64x128xf32>
        %mul3A_53 = arith.constant 5.000000e-01 : f32
        %mul3A_54 = vector.broadcast %mul3A_53 : f32 to vector<128x64x128xf32>
        %mul3A_55 = arith.mulf %mul3A_54, %add3A_49 : vector<128x64x128xf32>
        %tanh3A = math.tanh %mul3A_55 : vector<128x64x128xf32>
        %add3A_56 = arith.constant 1.000000e+00 : f32
        %add3A_57 = vector.broadcast %add3A_56 : f32 to vector<128x64x128xf32>
        %add3A_58 = arith.addf %add3A_57, %tanh3A : vector<128x64x128xf32>
        %mul3A_59 = arith.mulf %mul3A_52, %add3A_58 : vector<128x64x128xf32>
        %reshape3A = vector.shape_cast %mul3A_59 : vector<128x64x128xf32> to vector<8192x128xf32>
        %get3A_60 = arith.constant 0 : index
        %get3A_61 = arith.constant 0 : index
        %get3A_62 = arith.constant 0 : index
        %get3A_63 = vector.load %arg8[%get3A_60, %get3A_61, %get3A_62] : memref<1x128x128xf32, #tpu.memory_space<vmem>>, vector<1x128x128xf32>
        %get3A_64 = vector.shape_cast %get3A_63 : vector<1x128x128xf32> to vector<128x128xf32>
        %dot_general3A = arith.constant dense<0.000000e+00> : vector<8192x128xf32>
        %dot_general3A_65 = tpu.matmul %reshape3A, %get3A_64, %dot_general3A {dimension_numbers = #tpu.dot_dimension_numbers<[1], [0], [0], [1], [0, 0, 1, 1], [], []>, transpose_lhs_hint = false} : vector<8192x128xf32>, vector<128x128xf32>, vector<8192x128xf32> -> vector<8192x128xf32>
        %reshape3A_66 = vector.shape_cast %dot_general3A_65 : vector<8192x128xf32> to vector<128x64x128xf32>
        %get3A_67 = arith.constant 0 : index
        %get3A_68 = arith.index_cast %while3A_38 : i32 to index
        %get3A_69 = arith.constant 0 : index
        %get3A_70 = arith.constant 0 : index
        %get3A_71 = vector.load %arg4[%get3A_67, %get3A_68, %get3A_69, %get3A_70] : memref<1x32x64x128xf32, #tpu.memory_space<vmem>>, vector<1x1x64x128xf32>
        %get3A_72 = vector.shape_cast %get3A_71 : vector<1x1x64x128xf32> to vector<64x128xf32>
        %broadcast_in_dim3A_73 = vector.shape_cast %get3A_72 : vector<64x128xf32> to vector<1x64x128xf32>
        %add3A_74 = vector.broadcast %broadcast_in_dim3A_73 : vector<1x64x128xf32> to vector<128x64x128xf32>
        %add3A_75 = arith.addf %reshape3A_66, %add3A_74 : vector<128x64x128xf32>
        %mul3A_76 = arith.constant 5.000000e-01 : f32
        %mul3A_77 = vector.broadcast %mul3A_76 : f32 to vector<128x64x128xf32>
        %mul3A_78 = arith.mulf %mul3A_77, %add3A_75 : vector<128x64x128xf32>
        %mul3A_79 = arith.constant 5.000000e-01 : f32
        %mul3A_80 = vector.broadcast %mul3A_79 : f32 to vector<128x64x128xf32>
        %mul3A_81 = arith.mulf %mul3A_80, %add3A_75 : vector<128x64x128xf32>
        %tanh3A_82 = math.tanh %mul3A_81 : vector<128x64x128xf32>
        %add3A_83 = arith.constant 1.000000e+00 : f32
        %add3A_84 = vector.broadcast %add3A_83 : f32 to vector<128x64x128xf32>
        %add3A_85 = arith.addf %add3A_84, %tanh3A_82 : vector<128x64x128xf32>
        %mul3A_86 = arith.mulf %mul3A_78, %add3A_85 : vector<128x64x128xf32>
        %reduce_sum3A = arith.constant dense<0.000000e+00> : vector<128x128xf32>
        %reduce_sum3A_87 = vector.multi_reduction <add>, %mul3A_86, %reduce_sum3A [1] : vector<128x64x128xf32> to vector<128x128xf32>
        %slice3A = vector.extract_strided_slice %reduce_sum3A_87 {offsets = [0, 0], sizes = [128, 64], strides = [1, 1]} : vector<128x128xf32> to vector<128x64xf32>
        %add3A_88 = arith.addf %while3A_39, %slice3A : vector<128x64xf32>
        %slice3A_89 = vector.extract_strided_slice %reduce_sum3A_87 {offsets = [0, 64], sizes = [128, 64], strides = [1, 1]} : vector<128x128xf32> to vector<128x64xf32>
        %add3A_90 = arith.addf %add3A_88, %slice3A_89 : vector<128x64xf32>
        scf.yield %add3A_90 : vector<128x64xf32>
      }
      %swap3A = arith.index_cast %multiple_of3A : i32 to index
      %swap3A_36 = arith.constant 0 : index
      %swap3A_37 = vector.load %arg18[%swap3A, %swap3A_36] : memref<4096x64xf32, #tpu.memory_space<vmem>>, vector<128x64xf32>
      tpu.vector_store %arg18[%swap3A, %swap3A_36], %while3A_35 {strides = array<i32>} : memref<4096x64xf32, #tpu.memory_space<vmem>>, vector<128x64xf32>,
    } else {
    }
    %eq3A_9 = arith.constant 33 : i32
    %eq3A_10 = arith.cmpi eq, %arg1, %eq3A_9 : i32
    %convert_element_type3A_11 = arith.extui %eq3A_10 : i1 to i32
    %cond3A_12 = arith.constant 0 : i32
    %cond3A_13 = arith.cmpi ne, %convert_element_type3A_11, %cond3A_12 : i32
    scf.if %cond3A_13 {
      %get3A = arith.index_cast %rem3A_0 : i32 to index
      %get3A_14 = arith.constant 0 : index
      %get3A_15 = arith.constant 0 : index
      %get3A_16 = vector.load %arg15[%get3A, %get3A_14, %get3A_15] : memref<2x4096x64xf32, #tpu.memory_space<vmem>>, vector<1x4096x64xf32>
      %get3A_17 = vector.shape_cast %get3A_16 : vector<1x4096x64xf32> to vector<4096x64xf32>
      %get3A_18 = arith.constant 0 : index
      %get3A_19 = arith.constant 0 : index
      %get3A_20 = vector.load %arg18[%get3A_18, %get3A_19] : memref<4096x64xf32, #tpu.memory_space<vmem>>, vector<4096x64xf32>
      %mul3A = arith.constant 0.00999999977 : f32
      %mul3A_21 = vector.broadcast %mul3A : f32 to vector<4096x64xf32>
      %mul3A_22 = arith.mulf %get3A_20, %mul3A_21 : vector<4096x64xf32>
      %get3A_23 = arith.constant 0 : index
      %get3A_24 = arith.constant 0 : index
      %get3A_25 = arith.constant 0 : index
      %get3A_26 = vector.load %arg9[%get3A_23, %get3A_24, %get3A_25] : memref<1x64x64xf32, #tpu.memory_space<vmem>>, vector<1x64x64xf32>
      %get3A_27 = vector.shape_cast %get3A_26 : vector<1x64x64xf32> to vector<64x64xf32>
      %dot_general3A = arith.constant dense<0.000000e+00> : vector<4096x64xf32>
      %dot_general3A_28 = tpu.matmul %get3A_17, %get3A_27, %dot_general3A {dimension_numbers = #tpu.dot_dimension_numbers<[1], [0], [0], [1], [0, 0, 1, 1], [], []>, transpose_lhs_hint = false} : vector<4096x64xf32>, vector<64x64xf32>, vector<4096x64xf32> -> vector<4096x64xf32>
      %get3A_29 = arith.constant 0 : index
      %get3A_30 = arith.constant 0 : index
      %get3A_31 = arith.constant 0 : index
      %get3A_32 = vector.load %arg10[%get3A_29, %get3A_30, %get3A_31] : memref<1x64x64xf32, #tpu.memory_space<vmem>>, vector<1x64x64xf32>
      %get3A_33 = vector.shape_cast %get3A_32 : vector<1x64x64xf32> to vector<64x64xf32>
      %dot_general3A_34 = arith.constant dense<0.000000e+00> : vector<4096x64xf32>
      %dot_general3A_35 = tpu.matmul %mul3A_22, %get3A_33, %dot_general3A_34 {dimension_numbers = #tpu.dot_dimension_numbers<[1], [0], [0], [1], [0, 0, 1, 1], [], []>, transpose_lhs_hint = false} : vector<4096x64xf32>, vector<64x64xf32>, vector<4096x64xf32> -> vector<4096x64xf32>
      %add3A = arith.addf %dot_general3A_28, %dot_general3A_35 : vector<4096x64xf32>
      %get3A_36 = arith.constant 0 : index
      %get3A_37 = arith.constant 0 : index
      %get3A_38 = arith.constant 0 : index
      %get3A_39 = vector.load %arg11[%get3A_36, %get3A_37, %get3A_38] : memref<1x1x64xf32, #tpu.memory_space<vmem>>, vector<1x1x64xf32>
      %get3A_40 = vector.shape_cast %get3A_39 : vector<1x1x64xf32> to vector<1x64xf32>
      %add3A_41 = vector.broadcast %get3A_40 : vector<1x64xf32> to vector<4096x64xf32>
      %add3A_42 = arith.addf %add3A, %add3A_41 : vector<4096x64xf32>
      %mul3A_43 = arith.constant 5.000000e-01 : f32
      %mul3A_44 = vector.broadcast %mul3A_43 : f32 to vector<4096x64xf32>
      %mul3A_45 = arith.mulf %mul3A_44, %add3A_42 : vector<4096x64xf32>
      %mul3A_46 = arith.constant 5.000000e-01 : f32
      %mul3A_47 = vector.broadcast %mul3A_46 : f32 to vector<4096x64xf32>
      %mul3A_48 = arith.mulf %mul3A_47, %add3A_42 : vector<4096x64xf32>
      %tanh3A = math.tanh %mul3A_48 : vector<4096x64xf32>
      %add3A_49 = arith.constant 1.000000e+00 : f32
      %add3A_50 = vector.broadcast %add3A_49 : f32 to vector<4096x64xf32>
      %add3A_51 = arith.addf %add3A_50, %tanh3A : vector<4096x64xf32>
      %mul3A_52 = arith.mulf %mul3A_45, %add3A_51 : vector<4096x64xf32>
      %get3A_53 = arith.constant 0 : index
      %get3A_54 = arith.constant 0 : index
      %get3A_55 = arith.constant 0 : index
      %get3A_56 = vector.load %arg12[%get3A_53, %get3A_54, %get3A_55] : memref<1x64x64xf32, #tpu.memory_space<vmem>>, vector<1x64x64xf32>
      %get3A_57 = vector.shape_cast %get3A_56 : vector<1x64x64xf32> to vector<64x64xf32>
      %dot_general3A_58 = arith.constant dense<0.000000e+00> : vector<4096x64xf32>
      %dot_general3A_59 = tpu.matmul %mul3A_52, %get3A_57, %dot_general3A_58 {dimension_numbers = #tpu.dot_dimension_numbers<[1], [0], [0], [1], [0, 0, 1, 1], [], []>, transpose_lhs_hint = false} : vector<4096x64xf32>, vector<64x64xf32>, vector<4096x64xf32> -> vector<4096x64xf32>
      %add3A_60 = arith.addf %get3A_17, %dot_general3A_59 : vector<4096x64xf32>
      %get3A_61 = arith.constant 0 : index
      %get3A_62 = arith.constant 0 : index
      %get3A_63 = arith.constant 0 : index
      %get3A_64 = vector.load %arg13[%get3A_61, %get3A_62, %get3A_63] : memref<1x1x64xf32, #tpu.memory_space<vmem>>, vector<1x1x64xf32>
      %get3A_65 = vector.shape_cast %get3A_64 : vector<1x1x64xf32> to vector<1x64xf32>
      %add3A_66 = vector.broadcast %get3A_65 : vector<1x64xf32> to vector<4096x64xf32>
      %add3A_67 = arith.addf %add3A_60, %add3A_66 : vector<4096x64xf32>
      %swap3A = arith.index_cast %sub3A_1 : i32 to index
      %swap3A_68 = arith.constant 0 : index
      %swap3A_69 = arith.constant 0 : index
      %swap3A_70 = vector.load %arg15[%swap3A, %swap3A_68, %swap3A_69] : memref<2x4096x64xf32, #tpu.memory_space<vmem>>, vector<1x4096x64xf32>
      %swap3A_71 = vector.shape_cast %swap3A_70 : vector<1x4096x64xf32> to vector<4096x64xf32>
      %swap3A_72 = vector.shape_cast %add3A_67 : vector<4096x64xf32> to vector<1x4096x64xf32>
      tpu.vector_store %arg15[%swap3A, %swap3A_68, %swap3A_69], %swap3A_72 {strides = array<i32>} : memref<2x4096x64xf32, #tpu.memory_space<vmem>>, vector<1x4096x64xf32>,
      %eq3A_73 = arith.constant 3 : i32
      %eq3A_74 = arith.cmpi eq, %arg0, %eq3A_73 : i32
      %convert_element_type3A_75 = arith.extui %eq3A_74 : i1 to i32
      %cond3A_76 = arith.constant 0 : i32
      %cond3A_77 = arith.cmpi ne, %convert_element_type3A_75, %cond3A_76 : i32
      scf.if %cond3A_77 {
        %swap3A_78 = arith.constant 0 : index
        %swap3A_79 = arith.constant 0 : index
        %swap3A_80 = vector.load %arg14[%swap3A_78, %swap3A_79] : memref<4096x64xf32, #tpu.memory_space<vmem>>, vector<4096x64xf32>
        tpu.vector_store %arg14[%swap3A_78, %swap3A_79], %add3A_67 {strides = array<i32>} : memref<4096x64xf32, #tpu.memory_space<vmem>>, vector<4096x64xf32>,
      } else {
      }
    } else {
    }
    return
  }
  func.func @transform_0(%arg0: i32, %arg1: i32) -> (i32, i32) {
    %c0_i32 = arith.constant 0 : i32
    %c0_i32_0 = arith.constant 0 : i32
    %c0_i32_1 = arith.constant 0 : i32
    return %c0_i32, %c0_i32_0 : i32, i32
  }
  func.func @transform_1(%arg0: i32, %arg1: i32) -> (i32, i32) {
    %c0_i32 = arith.constant 0 : i32
    %c0_i32_0 = arith.constant 0 : i32
    %c0_i32_1 = arith.constant 0 : i32
    return %c0_i32, %c0_i32_0 : i32, i32
  }
  func.func @transform_2(%arg0: i32, %arg1: i32) -> (i32, i32, i32, i32) {
    %c0_i32 = arith.constant 0 : i32
    %c0_i32_0 = arith.constant 0 : i32
    %c0_i32_1 = arith.constant 0 : i32
    %c0_i32_2 = arith.constant 0 : i32
    return %arg0, %c0_i32, %c0_i32_0, %c0_i32_1 : i32, i32, i32, i32
  }
  func.func @transform_3(%arg0: i32, %arg1: i32) -> (i32, i32, i32) {
    %c0_i32 = arith.constant 0 : i32
    %c0_i32_0 = arith.constant 0 : i32
    %c0_i32_1 = arith.constant 0 : i32
    return %arg0, %c0_i32, %c0_i32_0 : i32, i32, i32
  }
  func.func @transform_4(%arg0: i32, %arg1: i32) -> (i32, i32, i32) {
    %c0_i32 = arith.constant 0 : i32
    %c0_i32_0 = arith.constant 0 : i32
    %c0_i32_1 = arith.constant 0 : i32
    return %arg0, %c0_i32, %c0_i32_0 : i32, i32, i32
  }
  func.func @transform_5(%arg0: i32, %arg1: i32) -> (i32, i32, i32) {
    %c0_i32 = arith.constant 0 : i32
    %c0_i32_0 = arith.constant 0 : i32
    %c0_i32_1 = arith.constant 0 : i32
    return %arg0, %c0_i32, %c0_i32_0 : i32, i32, i32
  }
  func.func @transform_6(%arg0: i32, %arg1: i32) -> (i32, i32, i32) {
    %c0_i32 = arith.constant 0 : i32
    %c0_i32_0 = arith.constant 0 : i32
    %c0_i32_1 = arith.constant 0 : i32
    return %arg0, %c0_i32, %c0_i32_0 : i32, i32, i32
  }
  func.func @transform_7(%arg0: i32, %arg1: i32) -> (i32, i32, i32) {
    %c0_i32 = arith.constant 0 : i32
    %c0_i32_0 = arith.constant 0 : i32
    %c0_i32_1 = arith.constant 0 : i32
    return %arg0, %c0_i32, %c0_i32_0 : i32, i32, i32
  }
  func.func @transform_8(%arg0: i32, %arg1: i32) -> (i32, i32, i32) {
    %c0_i32 = arith.constant 0 : i32
    %c0_i32_0 = arith.constant 0 : i32
    %c0_i32_1 = arith.constant 0 : i32
    return %arg0, %c0_i32, %c0_i32_0 : i32, i32, i32
  }
  func.func @transform_9(%arg0: i32, %arg1: i32) -> (i32, i32, i32) {
    %c0_i32 = arith.constant 0 : i32
    %c0_i32_0 = arith.constant 0 : i32
    %c0_i32_1 = arith.constant 0 : i32
    return %arg0, %c0_i32, %c0_i32_0 : i32, i32, i32
  }
  func.func @transform_10(%arg0: i32, %arg1: i32) -> (i32, i32, i32) {
    %c0_i32 = arith.constant 0 : i32
    %c0_i32_0 = arith.constant 0 : i32
    %c0_i32_1 = arith.constant 0 : i32
    return %arg0, %c0_i32, %c0_i32_0 : i32, i32, i32
  }
  func.func @transform_11(%arg0: i32, %arg1: i32) -> (i32, i32, i32) {
    %c0_i32 = arith.constant 0 : i32
    %c0_i32_0 = arith.constant 0 : i32
    %c0_i32_1 = arith.constant 0 : i32
    return %arg0, %c0_i32, %c0_i32_0 : i32, i32, i32
  }
  func.func @transform_12(%arg0: i32, %arg1: i32) -> (i32, i32) {
    %c0_i32 = arith.constant 0 : i32
    %c0_i32_0 = arith.constant 0 : i32
    %c0_i32_1 = arith.constant 0 : i32
    return %c0_i32, %c0_i32_0 : i32, i32
  }
}

module attributes {stable_mosaic.version = 14 : i64} {
  func.func @_unpack_kernel(%arg0: i32, %arg1: memref<240x1xi32, #tpu.memory_space<vmem>>, %arg2: memref<4096x64xf32, #tpu.memory_space<vmem>>, %arg3: memref<240x64xf32, #tpu.memory_space<vmem>>) attributes {dimension_semantics = [#tpu.dimension_semantics<arbitrary>], iteration_bounds = array<i64: 8>, scalar_prefetch = 0 : i64, scratch_operands = 0 : i64, tpu.core_type = #tpu.core_type<tc>, window_params = [{transform_indices = @transform_0, window_bounds = array<i64: 240, 1>}, {pipeline_mode = #tpu.pipeline_mode<synchronous>, transform_indices = @transform_1, window_bounds = array<i64: 4096, 64>}, {transform_indices = @transform_2, window_bounds = array<i64: 240, 64>}]} {
    %iota3A = tpu.iota {dimensions = array<i32: 1>} : vector<240x4096xi32>
    %get3A = arith.constant 0 : index
    %get3A_0 = arith.constant 0 : index
    %get3A_1 = vector.load %arg1[%get3A, %get3A_0] : memref<240x1xi32, #tpu.memory_space<vmem>>, vector<240x1xi32>
    %eq3A = vector.broadcast %get3A_1 : vector<240x1xi32> to vector<240x4096xi32>
    %eq3A_2 = arith.cmpi eq, %eq3A, %iota3A : vector<240x4096xi32>
    %convert_element_type3A = arith.extui %eq3A_2 : vector<240x4096xi1> to vector<240x4096xi32>
    %convert_element_type3A_3 = arith.sitofp %convert_element_type3A : vector<240x4096xi32> to vector<240x4096xf32>
    %get3A_4 = arith.constant 0 : index
    %get3A_5 = arith.constant 0 : index
    %get3A_6 = vector.load %arg2[%get3A_4, %get3A_5] : memref<4096x64xf32, #tpu.memory_space<vmem>>, vector<4096x64xf32>
    %dot_general3A = arith.constant dense<0.000000e+00> : vector<240x64xf32>
    %dot_general3A_7 = tpu.matmul %convert_element_type3A_3, %get3A_6, %dot_general3A {dimension_numbers = #tpu.dot_dimension_numbers<[1], [0], [0], [1], [0, 0, 1, 1], [], []>, transpose_lhs_hint = false} : vector<240x4096xf32>, vector<4096x64xf32>, vector<240x64xf32> -> vector<240x64xf32>
    %swap3A = arith.constant 0 : index
    %swap3A_8 = arith.constant 0 : index
    %swap3A_9 = vector.load %arg3[%swap3A, %swap3A_8] : memref<240x64xf32, #tpu.memory_space<vmem>>, vector<240x64xf32>
    tpu.vector_store %arg3[%swap3A, %swap3A_8], %dot_general3A_7 {strides = array<i32>} : memref<240x64xf32, #tpu.memory_space<vmem>>, vector<240x64xf32>,
    return
  }
  func.func @transform_0(%arg0: i32) -> (i32, i32) {
    %c0_i32 = arith.constant 0 : i32
    %c0_i32_0 = arith.constant 0 : i32
    return %arg0, %c0_i32 : i32, i32
  }
  func.func @transform_1(%arg0: i32) -> (i32, i32) {
    %c0_i32 = arith.constant 0 : i32
    %c0_i32_0 = arith.constant 0 : i32
    %c0_i32_1 = arith.constant 0 : i32
    return %c0_i32, %c0_i32_0 : i32, i32
  }
  func.func @transform_2(%arg0: i32) -> (i32, i32) {
    %c0_i32 = arith.constant 0 : i32
    %c0_i32_0 = arith.constant 0 : i32
    return %arg0, %c0_i32 : i32, i32
  }
}

module attributes {stable_mosaic.version = 14 : i64} {
  func.func @_post_kernel(%arg0: memref<1920x64xf32, #tpu.memory_space<vmem>>, %arg1: memref<1920x1xi32, #tpu.memory_space<vmem>>, %arg2: memref<64x20xf32, #tpu.memory_space<vmem>>, %arg3: memref<1x20xf32, #tpu.memory_space<vmem>>, %arg4: memref<16x32xf32, #tpu.memory_space<vmem>>, %arg5: memref<1x32xf32, #tpu.memory_space<vmem>>, %arg6: memref<32x16xf32, #tpu.memory_space<vmem>>, %arg7: memref<1x16xf32, #tpu.memory_space<vmem>>, %arg8: memref<16x42xf32, #tpu.memory_space<vmem>>, %arg9: memref<1x42xf32, #tpu.memory_space<vmem>>, %arg10: memref<42x21xf32, #tpu.memory_space<vmem>>, %arg11: memref<1x21xf32, #tpu.memory_space<vmem>>, %arg12: memref<320x19xf32, #tpu.memory_space<vmem>>, %arg13: memref<1600x24xf32, #tpu.memory_space<vmem>>) attributes {dimension_semantics = [], scalar_prefetch = 0 : i64, scratch_operands = 0 : i64, tpu.core_type = #tpu.core_type<tc>} {
    %get3A = arith.constant 0 : index
    %get3A_0 = arith.constant 0 : index
    %get3A_1 = vector.load %arg0[%get3A, %get3A_0] : memref<1920x64xf32, #tpu.memory_space<vmem>>, vector<1920x64xf32>
    %get3A_2 = arith.constant 0 : index
    %get3A_3 = arith.constant 0 : index
    %get3A_4 = vector.load %arg2[%get3A_2, %get3A_3] : memref<64x20xf32, #tpu.memory_space<vmem>>, vector<64x20xf32>
    %dot_general3A = arith.constant dense<0.000000e+00> : vector<1920x20xf32>
    %dot_general3A_5 = tpu.matmul %get3A_1, %get3A_4, %dot_general3A {dimension_numbers = #tpu.dot_dimension_numbers<[1], [0], [0], [1], [0, 0, 1, 1], [], []>, transpose_lhs_hint = false} : vector<1920x64xf32>, vector<64x20xf32>, vector<1920x20xf32> -> vector<1920x20xf32>
    %get3A_6 = arith.constant 0 : index
    %get3A_7 = arith.constant 0 : index
    %get3A_8 = vector.load %arg3[%get3A_6, %get3A_7] : memref<1x20xf32, #tpu.memory_space<vmem>>, vector<1x20xf32>
    %add3A = vector.broadcast %get3A_8 : vector<1x20xf32> to vector<1920x20xf32>
    %add3A_9 = arith.addf %dot_general3A_5, %add3A : vector<1920x20xf32>
    %slice3A = vector.extract_strided_slice %add3A_9 {offsets = [0, 0], sizes = [1920, 3], strides = [1, 1]} : vector<1920x20xf32> to vector<1920x3xf32>
    %slice3A_10 = vector.extract_strided_slice %add3A_9 {offsets = [0, 3], sizes = [1920, 16], strides = [1, 1]} : vector<1920x20xf32> to vector<1920x16xf32>
    %slice3A_11 = vector.extract_strided_slice %slice3A_10 {offsets = [0, 0], sizes = [320, 16], strides = [1, 1]} : vector<1920x16xf32> to vector<320x16xf32>
    %get3A_12 = arith.constant 0 : index
    %get3A_13 = arith.constant 0 : index
    %get3A_14 = vector.load %arg4[%get3A_12, %get3A_13] : memref<16x32xf32, #tpu.memory_space<vmem>>, vector<16x32xf32>
    %dot_general3A_15 = arith.constant dense<0.000000e+00> : vector<320x32xf32>
    %dot_general3A_16 = tpu.matmul %slice3A_11, %get3A_14, %dot_general3A_15 {dimension_numbers = #tpu.dot_dimension_numbers<[1], [0], [0], [1], [0, 0, 1, 1], [], []>, transpose_lhs_hint = false} : vector<320x16xf32>, vector<16x32xf32>, vector<320x32xf32> -> vector<320x32xf32>
    %get3A_17 = arith.constant 0 : index
    %get3A_18 = arith.constant 0 : index
    %get3A_19 = vector.load %arg5[%get3A_17, %get3A_18] : memref<1x32xf32, #tpu.memory_space<vmem>>, vector<1x32xf32>
    %add3A_20 = vector.broadcast %get3A_19 : vector<1x32xf32> to vector<320x32xf32>
    %add3A_21 = arith.addf %dot_general3A_16, %add3A_20 : vector<320x32xf32>
    %mul3A = arith.constant 5.000000e-01 : f32
    %mul3A_22 = vector.broadcast %mul3A : f32 to vector<320x32xf32>
    %mul3A_23 = arith.mulf %mul3A_22, %add3A_21 : vector<320x32xf32>
    %mul3A_24 = arith.constant 5.000000e-01 : f32
    %mul3A_25 = vector.broadcast %mul3A_24 : f32 to vector<320x32xf32>
    %mul3A_26 = arith.mulf %mul3A_25, %add3A_21 : vector<320x32xf32>
    %tanh3A = math.tanh %mul3A_26 : vector<320x32xf32>
    %add3A_27 = arith.constant 1.000000e+00 : f32
    %add3A_28 = vector.broadcast %add3A_27 : f32 to vector<320x32xf32>
    %add3A_29 = arith.addf %add3A_28, %tanh3A : vector<320x32xf32>
    %mul3A_30 = arith.mulf %mul3A_23, %add3A_29 : vector<320x32xf32>
    %get3A_31 = arith.constant 0 : index
    %get3A_32 = arith.constant 0 : index
    %get3A_33 = vector.load %arg6[%get3A_31, %get3A_32] : memref<32x16xf32, #tpu.memory_space<vmem>>, vector<32x16xf32>
    %dot_general3A_34 = arith.constant dense<0.000000e+00> : vector<320x16xf32>
    %dot_general3A_35 = tpu.matmul %mul3A_30, %get3A_33, %dot_general3A_34 {dimension_numbers = #tpu.dot_dimension_numbers<[1], [0], [0], [1], [0, 0, 1, 1], [], []>, transpose_lhs_hint = false} : vector<320x32xf32>, vector<32x16xf32>, vector<320x16xf32> -> vector<320x16xf32>
    %get3A_36 = arith.constant 0 : index
    %get3A_37 = arith.constant 0 : index
    %get3A_38 = vector.load %arg7[%get3A_36, %get3A_37] : memref<1x16xf32, #tpu.memory_space<vmem>>, vector<1x16xf32>
    %add3A_39 = vector.broadcast %get3A_38 : vector<1x16xf32> to vector<320x16xf32>
    %add3A_40 = arith.addf %dot_general3A_35, %add3A_39 : vector<320x16xf32>
    %slice3A_41 = vector.extract_strided_slice %slice3A_10 {offsets = [320, 0], sizes = [1600, 16], strides = [1, 1]} : vector<1920x16xf32> to vector<1600x16xf32>
    %get3A_42 = arith.constant 0 : index
    %get3A_43 = arith.constant 0 : index
    %get3A_44 = vector.load %arg8[%get3A_42, %get3A_43] : memref<16x42xf32, #tpu.memory_space<vmem>>, vector<16x42xf32>
    %dot_general3A_45 = arith.constant dense<0.000000e+00> : vector<1600x42xf32>
    %dot_general3A_46 = tpu.matmul %slice3A_41, %get3A_44, %dot_general3A_45 {dimension_numbers = #tpu.dot_dimension_numbers<[1], [0], [0], [1], [0, 0, 1, 1], [], []>, transpose_lhs_hint = false} : vector<1600x16xf32>, vector<16x42xf32>, vector<1600x42xf32> -> vector<1600x42xf32>
    %get3A_47 = arith.constant 0 : index
    %get3A_48 = arith.constant 0 : index
    %get3A_49 = vector.load %arg9[%get3A_47, %get3A_48] : memref<1x42xf32, #tpu.memory_space<vmem>>, vector<1x42xf32>
    %add3A_50 = vector.broadcast %get3A_49 : vector<1x42xf32> to vector<1600x42xf32>
    %add3A_51 = arith.addf %dot_general3A_46, %add3A_50 : vector<1600x42xf32>
    %mul3A_52 = arith.constant 5.000000e-01 : f32
    %mul3A_53 = vector.broadcast %mul3A_52 : f32 to vector<1600x42xf32>
    %mul3A_54 = arith.mulf %mul3A_53, %add3A_51 : vector<1600x42xf32>
    %mul3A_55 = arith.constant 5.000000e-01 : f32
    %mul3A_56 = vector.broadcast %mul3A_55 : f32 to vector<1600x42xf32>
    %mul3A_57 = arith.mulf %mul3A_56, %add3A_51 : vector<1600x42xf32>
    %tanh3A_58 = math.tanh %mul3A_57 : vector<1600x42xf32>
    %add3A_59 = arith.constant 1.000000e+00 : f32
    %add3A_60 = vector.broadcast %add3A_59 : f32 to vector<1600x42xf32>
    %add3A_61 = arith.addf %add3A_60, %tanh3A_58 : vector<1600x42xf32>
    %mul3A_62 = arith.mulf %mul3A_54, %add3A_61 : vector<1600x42xf32>
    %get3A_63 = arith.constant 0 : index
    %get3A_64 = arith.constant 0 : index
    %get3A_65 = vector.load %arg10[%get3A_63, %get3A_64] : memref<42x21xf32, #tpu.memory_space<vmem>>, vector<42x21xf32>
    %dot_general3A_66 = arith.constant dense<0.000000e+00> : vector<1600x21xf32>
    %dot_general3A_67 = tpu.matmul %mul3A_62, %get3A_65, %dot_general3A_66 {dimension_numbers = #tpu.dot_dimension_numbers<[1], [0], [0], [1], [0, 0, 1, 1], [], []>, transpose_lhs_hint = false} : vector<1600x42xf32>, vector<42x21xf32>, vector<1600x21xf32> -> vector<1600x21xf32>
    %get3A_68 = arith.constant 0 : index
    %get3A_69 = arith.constant 0 : index
    %get3A_70 = vector.load %arg11[%get3A_68, %get3A_69] : memref<1x21xf32, #tpu.memory_space<vmem>>, vector<1x21xf32>
    %add3A_71 = vector.broadcast %get3A_70 : vector<1x21xf32> to vector<1600x21xf32>
    %add3A_72 = arith.addf %dot_general3A_67, %add3A_71 : vector<1600x21xf32>
    %get3A_73 = arith.constant 0 : index
    %get3A_74 = arith.constant 0 : index
    %get3A_75 = vector.load %arg1[%get3A_73, %get3A_74] : memref<1920x1xi32, #tpu.memory_space<vmem>>, vector<1920x1xi32>
    %iota3A = tpu.iota {dimensions = array<i32: 1>} : vector<1920x16xi32>
    %eq3A = vector.broadcast %get3A_75 : vector<1920x1xi32> to vector<1920x16xi32>
    %eq3A_76 = arith.cmpi eq, %eq3A, %iota3A : vector<1920x16xi32>
    %convert_element_type3A = arith.extui %eq3A_76 : vector<1920x16xi1> to vector<1920x16xi32>
    %convert_element_type3A_77 = arith.sitofp %convert_element_type3A : vector<1920x16xi32> to vector<1920x16xf32>
    %dot_general3A_78 = arith.constant dense<0.000000e+00> : vector<16x3xf32>
    %dot_general3A_79 = tpu.matmul %convert_element_type3A_77, %slice3A, %dot_general3A_78 {dimension_numbers = #tpu.dot_dimension_numbers<[0], [0], [1], [1], [0, 1, 1, 1], [], []>, transpose_lhs_hint = false} : vector<1920x16xf32>, vector<1920x3xf32>, vector<16x3xf32> -> vector<16x3xf32>
    %reduce_sum3A = arith.constant dense<0.000000e+00> : vector<16xf32>
    %reduce_sum3A_80 = vector.multi_reduction <add>, %convert_element_type3A_77, %reduce_sum3A [0] : vector<1920x16xf32> to vector<16xf32>
    %broadcast_in_dim3A = vector.shape_cast %reduce_sum3A_80 : vector<16xf32> to vector<1x16xf32>
    %transpose3A = tpu.transpose %broadcast_in_dim3A, [1, 0] : vector<1x16xf32> -> vector<16x1xf32>
    %max3A = arith.constant 1.000000e+00 : f32
    %max3A_81 = vector.broadcast %max3A : f32 to vector<16x1xf32>
    %max3A_82 = arith.maximumf %transpose3A, %max3A_81 : vector<16x1xf32>
    %div3A = vector.broadcast %max3A_82 : vector<16x1xf32> to vector<16x3xf32>
    %div3A_83 = arith.divf %dot_general3A_79, %div3A : vector<16x3xf32>
    %dot_general3A_84 = arith.constant dense<0.000000e+00> : vector<1920x3xf32>
    %dot_general3A_85 = tpu.matmul %convert_element_type3A_77, %div3A_83, %dot_general3A_84 {dimension_numbers = #tpu.dot_dimension_numbers<[1], [0], [0], [1], [0, 0, 1, 1], [], []>, transpose_lhs_hint = false} : vector<1920x16xf32>, vector<16x3xf32>, vector<1920x3xf32> -> vector<1920x3xf32>
    %sub3A = arith.subf %slice3A, %dot_general3A_85 : vector<1920x3xf32>
    %slice3A_86 = vector.extract_strided_slice %sub3A {offsets = [0, 0], sizes = [320, 3], strides = [1, 1]} : vector<1920x3xf32> to vector<320x3xf32>
    %concatenate3A = tpu.concatenate %slice3A_86, %add3A_40 in 1 : vector<320x3xf32>, vector<320x16xf32> -> vector<320x19xf32>
    %swap3A = arith.constant 0 : index
    %swap3A_87 = arith.constant 0 : index
    %swap3A_88 = vector.load %arg12[%swap3A, %swap3A_87] : memref<320x19xf32, #tpu.memory_space<vmem>>, vector<320x19xf32>
    tpu.vector_store %arg12[%swap3A, %swap3A_87], %concatenate3A {strides = array<i32>} : memref<320x19xf32, #tpu.memory_space<vmem>>, vector<320x19xf32>,
    %slice3A_89 = vector.extract_strided_slice %sub3A {offsets = [320, 0], sizes = [1600, 3], strides = [1, 1]} : vector<1920x3xf32> to vector<1600x3xf32>
    %concatenate3A_90 = tpu.concatenate %slice3A_89, %add3A_72 in 1 : vector<1600x3xf32>, vector<1600x21xf32> -> vector<1600x24xf32>
    %swap3A_91 = arith.constant 0 : index
    %swap3A_92 = arith.constant 0 : index
    %swap3A_93 = vector.load %arg13[%swap3A_91, %swap3A_92] : memref<1600x24xf32, #tpu.memory_space<vmem>>, vector<1600x24xf32>
    tpu.vector_store %arg13[%swap3A_91, %swap3A_92], %concatenate3A_90 {strides = array<i32>} : memref<1600x24xf32, #tpu.memory_space<vmem>>, vector<1600x24xf32>,
    return
  }
}

</mosaic_0001>

<sc_bundles>
// kernel: gather_offload_async_start
scs
__scs_entry_jumppad:
0x0: {  	(pc) =	sbr.rel $0x88, $3  }
0x1: {  	(tag) =	ssettag $0x0;
	lr =	simm.s32 $0x1  }
0x2: {  	[smem:$0x3F68] =	sst lr;
	_ =	strace $0xD0000000  }
0x3: {  	_ = 	snop  }
0x4: {  	_ = 	snop  }
0x5: {  	_ = 	snop  }
0x6: {  	_ = 	snop  }
0x7: {  	_ = 	snop  }
__scs_overlays_trampoline_lowered:
0x8: {  	[smem:$0x3F77] =	sst s0  }
0x9: {  	[smem:$0x3F78] =	sst s1  }
0xa: {  	[smem:$0x3F79] =	sst s2  }
0xb: {  	[smem:$0x3F7A] =	sst s3  }
0xc: {  	[smem:$0x3F7B] =	sst s4  }
0xd: {  	[smem:$0x3F7C] =	sst s5  }
0xe: {  	[smem:$0x3F7D] =	sst s6  }
0xf: {  	[smem:$0x3F7E] =	sst s7  }
0x10: {  	[smem:$0x3F7F] =	sst s8  }
0x11: {  	[smem:$0x3F80] =	sst s9;
	s0 =	simm.s32 @!p0 $0x0  }
0x12: {  	s1 =	sld [smem:$0x3F66];
	s0 =	simm.s32 @p0 $0x1  }
0x13: {  	[smem:$0x3F81] =	sst s0;
	s0 =	simm.s32 @!p1 $0x0  }
0x14: {  	s2 =	sld [smem:$0x3F65];
	s0 =	simm.s32 @p1 $0x1  }
0x15: {  	[smem:$0x3F82] =	sst s0;
	s0 =	simm.s32 @!p2 $0x0  }
0x16: {  	s3 =	sld [smem:$0x3FDB];
	s0 =	simm.s32 @p2 $0x1  }
0x17: {  	s4 =	simm.s32 $0x1BF5;
	[smem:$0x3F84] =	sst s0  }
0x18: {  	s0 =	sld [smem:$0x3F67];
	_ =	swait.ge [sflag:s4], $0x0  }
0x19: {  	s7 =	sld [smem:$0x3F68]  }
0x1a: {  	s8 =	sadd.s32 $0xFFFFE003, lr  }
0x1b: {  	s9 =	sadd.s32 $0xFFFFFEF7, lr;
	s5 =	simm.s32 $0xFFFFFFFF;
	p2 =	slt.u32 s8, $0xFFFFF086  }
0x1c: {  	p1 =	slt.u32 s9, $0xF7A;
	s5 =	simm.s32 @!p2 $0x0  }
0x1d: {  	s5 =	simm.s32 @p1 $0x1;
	p0 =	seq.s32 s7, s2  }
0x1e: {  	s7 =	smul.u32 @!p0 $0xF7A, s2;
	p2 =	seq.s32 @!p0 s5, $0x0  }
0x1f: {  	s9 =	smul.u32 $0xF7A, s1;
	s8 =	simm.s32 @!p0 $0x1BF5;
	p2 =	por !p2, p0  }
0x20: {  	[sflag:s8] =	ssyncset.s32 @!p0 $0xFFFFF086;
	s6 =	sadd.s32 @!p0 s3, s7;
	s7 =	simm.s32 @!p0 $0x108  }
0x21: {  	s3 =	sadd.s32 s3, s9;
	s6 =	sadd.s32 @!p0 $0x88, s6;
	s7 =	simm.s32 @p2 $0x1082  }
0x22: {  	[simem:s7], [sflag:s8] =	dma.local @!p0 [hbm:s6], $0xF7A  }
0x23: {  	s9 =	sor.u32 $0xD0000000, s2;
	s6 =	simm.s32 $0x108;
	_ =	swait.ge @!p0 [sflag:s8], $0x0  }
0x24: {  	s3 =	sadd.s32 $0x88, s3;
	s6 =	simm.s32 @!p1 $0x1082;
	[sflag:s4] =	ssyncset.s32 $0xFFFFF086  }
0x25: {  	[simem:s6], [sflag:s4] =	dma.local [hbm:s3], $0xF7A  }
0x26: {  	[smem:$0x3F68] =	sst s1;
	(tag) =	ssettag s2;
	_ =	strace s9  }
0x27: {  	s1 =	sld [smem:$0x3F78]  }
0x28: {  	s2 =	sld [smem:$0x3F79]  }
0x29: {  	s4 =	sld [smem:$0x3F7B]  }
0x2a: {  	p0 =	seq.s32 s5, $0x0;
	s5 =	sld [smem:$0x3F7C]  }
0x2b: {  	s6 =	sld [smem:$0x3F7D]  }
0x2c: {  	s7 =	sld [smem:$0x3F7E]  }
0x2d: {  	s3 =	simm.s32 $0x108;
	s8 =	sld [smem:$0x3F7F]  }
0x2e: {  	s3 =	simm.s32 @!p0 $0x1082;
	s9 =	sld [smem:$0x3F80]  }
0x2f: {  	lr =	sadd.s32 s0, s3;
	s0 =	sld [smem:$0x3F77]  }
0x30: {  	s3 =	sld [smem:$0x3F7A]  }
0x31: {  	[smem:$0x3F83] =	sst s10  }
0x32: {  	s10 =	sld [smem:$0x3F81];
	_ =	sdelay $0x3  }
0x33: {  	p0 =	seq.s32 s10, $0x1;
	s10 =	sld [smem:$0x3F83];
	_ =	sdelay $0x3  }
0x34: {  	[smem:$0x3F83] =	sst s10  }
0x35: {  	s10 =	sld [smem:$0x3F82];
	_ =	sdelay $0x3  }
0x36: {  	p1 =	seq.s32 s10, $0x1;
	s10 =	sld [smem:$0x3F83];
	_ =	sdelay $0x3  }
0x37: {  	[smem:$0x3F83] =	sst s10  }
0x38: {  	s10 =	sld [smem:$0x3F84]  }
0x39: {  	_ = 	snop;
	(pc) =	sbr.ind lr, $3  }
0x3a: {  	_ = 	snop  }
0x3b: {  	_ = 	snop  }
0x3c: {  	p2 =	seq.s32 s10, $0x1;
	s10 =	sld [smem:$0x3F83]  }
0x3d: {  	_ =	shalt  }
0x3e: {  	_ =	shalt  }
0x3f: {  	_ =	shalt  }
0x40: {  	_ =	shalt  }
0x41: {  	_ =	shalt  }
0x42: {  	_ =	shalt  }
0x43: {  	_ =	shalt  }
0x44: {  	_ =	shalt  }
0x45: {  	_ =	shalt  }
0x46: {  	_ =	shalt  }
0x47: {  	_ =	shalt  }
0x48: {  	_ =	shalt  }
0x49: {  	_ =	shalt  }
0x4a: {  	_ =	shalt  }
0x4b: {  	_ =	shalt  }
0x4c: {  	_ =	shalt  }
0x4d: {  	_ =	shalt  }
0x4e: {  	_ =	shalt  }
0x4f: {  	_ =	shalt  }
0x50: {  	_ =	shalt  }
0x51: {  	_ =	shalt  }
0x52: {  	_ =	shalt  }
0x53: {  	_ =	shalt  }
0x54: {  	_ =	shalt  }
0x55: {  	_ =	shalt  }
0x56: {  	_ =	shalt  }
0x57: {  	_ =	shalt  }
0x58: {  	_ =	shalt  }
0x59: {  	_ =	shalt  }
0x5a: {  	_ =	shalt  }
0x5b: {  	_ =	shalt  }
0x5c: {  	_ =	shalt  }
0x5d: {  	_ =	shalt  }
0x5e: {  	_ =	shalt  }
0x5f: {  	_ =	shalt  }
0x60: {  	_ =	shalt  }
0x61: {  	_ =	shalt  }
0x62: {  	_ =	shalt  }
0x63: {  	_ =	shalt  }
0x64: {  	_ =	shalt  }
0x65: {  	_ =	shalt  }
0x66: {  	_ =	shalt  }
0x67: {  	_ =	shalt  }
0x68: {  	_ =	shalt  }
0x69: {  	_ =	shalt  }
0x6a: {  	_ =	shalt  }
0x6b: {  	_ =	shalt  }
0x6c: {  	_ =	shalt  }
0x6d: {  	_ =	shalt  }
0x6e: {  	_ =	shalt  }
0x6f: {  	_ =	shalt  }
0x70: {  	_ =	shalt  }
0x71: {  	_ =	shalt  }
0x72: {  	_ =	shalt  }
0x73: {  	_ =	shalt  }
0x74: {  	_ =	shalt  }
0x75: {  	_ =	shalt  }
0x76: {  	_ =	shalt  }
0x77: {  	_ =	shalt  }
0x78: {  	_ =	shalt  }
0x79: {  	_ =	shalt  }
0x7a: {  	_ =	shalt  }
0x7b: {  	_ =	shalt  }
0x7c: {  	_ =	shalt  }
0x7d: {  	_ =	shalt  }
0x7e: {  	_ =	shalt  }
0x7f: {  	_ =	shalt  }
0x80: {  	_ =	shalt  }
0x81: {  	_ =	shalt  }
0x82: {  	_ =	shalt  }
0x83: {  	_ =	shalt  }
0x84: {  	_ =	shalt  }
0x85: {  	_ =	shalt  }
0x86: {  	_ =	shalt  }
0x87: {  	_ =	shalt  }
.Lfunc_end0:
.L_simem_size_0:
called_computation_lowered:
.L_overlay_start_0:
0x88: {  	s2 =	sld [smem:$0x3FD9]  }
0x89: {  	s3 =	sld [smem:$0x3FFE];
	_ =	sdelay $0x1  }
0x8a: {  	s1 =	srdreg.scid  }
0x8b: {  	s0 =	sand.u32 $0x1, s1  }
0x8c: {  	s14 =	sshll.u32 s0, $0xA;
	s2 =	sadd.s32 s3, s2  }
0x8d: {  	s2 =	sadd.s32 s2, s14  }
0x8e: {  	[smem:$0x3F8F] =	sst s2  }
0x8f: {  	_ = 	snop  }
0x90: {  	s2 =	sld [smem:$0x3FD0];
	_ =	sdelay $0x2  }
0x91: {  	s15 =	simm.s32 $0xA;
	s4 =	simm.s32 $0x10  }
0x92: {  	[smem:s4], [sflag:s15] =	dma.local [hbm:s2], $0x1  }
0x93: {  	_ =	swait.eq [sflag:s15], $0x1  }
0x94: {  	[sflag:s15] =	ssyncset.done $0x0  }
0x95: {  	s16 =	sld [smem:$0x10];
	[sflag:s15] =	ssyncadd.s32 $0xFFFFFFFF  }
0x96: {  	s17 =	sld [smem:$0x11];
	(tm) =	ssettm $0x1  }
0x97: {  	s18 =	sld [smem:$0x3FFB];
	_ =	sdelay $0x3  }
0x98: {  	_ =	strace s18  }
0x99: {  	s4 =	sld [smem:$0x3FFC];
	_ =	sdelay $0x3  }
0x9a: {  	_ =	strace s4  }
0x9b: {  	s4 =	sld [smem:$0x3FFD];
	_ =	sdelay $0x3  }
0x9c: {  	_ =	strace s4  }
0x9d: {  	_ =	strace $0x8FFFFFFF  }
0x9e: {  	s19 =	sld [smem:$0x3FDB];
	_ =	sdelay $0x1  }
0x9f: {  	s5 =	simm.s32 $_scs_section_size  }
0xa0: {  	s6 =	simm.s32 $_size__tile_overlayer_lowered;
	s7 =	simm.s32 $_tile_overlayer_lowered  }
0xa1: {  	s22 =	simm.s32 $0x1BFF;
	s21 =	sshll.u32 s7, $0x1;
	s4 =	sadd.s32 s5, s19  }
0xa2: {  	s8 =	simm.s32 $0x0;
	s20 =	sshll.u32 s6, $0x1;
	s6 =	sadd.s32 s21, s4  }
0xa3: {  	[timem:s8], [sflag:s22] =	dma.local [hbm:s6], s20  }
0xa4: {  	_ =	swait.ge [sflag:s22], s20  }
0xa5: {  	s5 =	ssub.s32 $0x0, s20;
	[sflag:s22] =	ssyncset.done $0x0  }
0xa6: {  	[sflag:s22] =	ssyncadd.s32 s5;
	_ =	sdelay $0x1  }
0xa7: {  	s23 =	simm.s32 $0x1B8B  }
0xa8: {  	_ =	swait.ge [sflag:s23], $0x1  }
0xa9: {  	[sflag:s23] =	ssyncset.done $0x0  }
0xaa: {  	s25 =	simm.s32 $0x1B8E;
	s24 =	sld [smem:$0x3FFE];
	[sflag:s23] =	ssyncadd.s32 $0xFFFFFFFF  }
0xab: {  	s26 =	simm.s32 $execute0_lowered;
	[smem:$0x3FD2] =	sst s25  }
0xac: {  	s6 =	sshll.u32 s26, $0x1;
	_ =	strace $0x80000046;
	[dreg:$0x1] =	wrdreg $0xFFFFFFFF  }
0xad: {  	s28 =	simm.s32 $_size_execute0_lowered;
	s4 =	sadd.s32 s4, s6;
	[dreg:$0x0] =	wrdreg $0x0  }
0xae: {  	s6 =	sshll.u32 s28, $0x1;
	[dreg:$0x2] =	wrdreg s4  }
0xaf: {  	[dreg:$0x3] =	wrdreg s6  }
0xb0: {  	[dreg:$0x4] =	wrdreg $0xC0  }
0xb1: {  	_ =	task [dreg:s8], $0x5FFFF  }
0xb2: {  	[dreg:$0x1] =	wrdreg $0xFFFFFFFF  }
0xb3: {  	[dreg:$0x0] =	wrdreg $0x60  }
0xb4: {  	[dreg:$0x2] =	wrdreg s16  }
0xb5: {  	[dreg:$0x3] =	wrdreg s17  }
0xb6: {  	[dreg:$0x4] =	wrdreg s24  }
0xb7: {  	[dreg:$0x5] =	wrdreg $0x9  }
0xb8: {  	_ =	task.clear_ibuf [dreg:s8], $0x6FFFF;
	_ =	strace $0x90000046  }
0xb9: {  	s29 =	simm.s32 $0x9;
	_ =	strace $0x80000048  }
0xba: {  	_ =	swait.ge [sflag:s29], $0x1  }
0xbb: {  	[sflag:s29] =	ssyncadd.s32 $0xFFFFFFFF  }
0xbc: {  	_ =	strace $0x90000048  }
0xbd: {  	_ =	sfence  }
0xbe: {  	s30 =	sld [smem:$0x0];
	_ =	sdelay $0x2  }
0xbf: {  	s31 =	sshll.u32 s1, $0xD;
	s1 =	sshrl.u32 s1, $0x2  }
0xc0: {  	s3 =	sand.u32 $0x4000, s31;
	s1 =	sadd.s32 s1, s30  }
0xc1: {  	s0 =	sor.u32 s3, s0;
	s1 =	sshll.u32 s1, $0x11  }
0xc2: {  	s0 =	sor.u32 s1, s0  }
0xc3: {  	s0 =	sadd.s32 $0x8F2B, s0  }
0xc4: {  	[sflag:s0] =	ssyncadd.remote.s32 $0x1  }
0xc5: {  	_ =	sfence.sel $0xFFFF  }
0xc6: {  	[dreg:$0x0] =	wrdreg $0xFFFFFFFF;
	(pc) =	sbr.abs _section_cstart, $3  }
0xc7: {  	[dreg:$0x1] =	wrdreg $0xFFFFFFFF  }
0xc8: {  	_ =	task.clear_ibuf [dreg:s8], $0x2FFFF;
	_ =	strace $0x9FFFFFFF  }
0xc9: {  	(tm) =	ssettm $0x7FFFFFFF  }
tec
execute0_lowered:
.L_overlay_start_1:
0x0: {  	(tag) =	ssettag $0x1  }
0x1: {  	s2 =	rddreg [dreg:$0x0]  }
0x2: {  	s3 =	rddreg [dreg:$0x1]  }
0x3: {  	s0 =	stileid.u32;
	s1 =	srdreg.scid  }
0x4: {  	s8 =	rddreg [dreg:$0x2];
	s9 =	simm.s32 $0x1;
	s10 =	simm.s32 $0x3  }
0x5: {  	s13 =	simm.s32 $0x0;
	s4 =	sand.u32 $0x1, s1;
	s5 =	sshll.u32 s0, $0x1  }
0x6: {  	s12 =	simm.s32 $0x0;
	s1 =	rddreg [dreg:$0x3];
	s6 =	sor.u32 s5, s4  }
0x7: {  	_ =	strace $0x80000047;
	s8 =	sadd.s32 $0x3800, s8;
	s4 =	smul.u32 $0x30, s6  }
0x8: {  	s5 =	simm.s32 $0x1;
	p0 =	slt.u32 s6, $0x9;
	s6 =	simm.s32 $0x600  }
.Ltmp0:
0x9: {  	s6 =	simm.s32 @!p0 $0x0;
	s7 =	ssub.s32 $0x780, s4;
	(pc) =	sbr.rel .LBB2_1-.Ltmp0, $4  }
0xa: {  	s9 =	simm.s32 @!p0 $0x0;
	p0 =	sne.s32 s7, s6;
	s7 =	simm.s32 $0x1  }
0xb: {  	[sflag:s5] =	ssyncpa.u1 $0x0;
	s6 =	simm.s32 $0x2;
	s7 =	simm.s32 @!p0 $0x0  }
0xc: {  	s11 =	smov.u32 s4;
	[sflag:s6] =	ssyncpa.u1 $0x0;
	s7 =	sadd.s32 s9, s7  }
0xd: {  	vm0 =	vmmov $0xffff;
	[sflag:s10] =	ssyncpa.u1 $0x0;
	s10 =	simm.s32 $0x0;
	s9 =	sadd.s32 $0x1, s7  }
.LBB2_4:
0xe: {  	v0 =	vnsel vm1, $0x0, v0  }
0xf: {  	v0 =	vmin.u32 v0, $0x77F;
	_ =	sdelay $0x3  }
0x10: {  	(ifvalue) =	ssetifvalue $0x7FFFFFFF;
	s15 =	sadd.s32 $0x10, s15  }
0x11: {  	[tilespmem:s15], [sflag:$0x1] =	stream.indirect_vreg.gather [hbm4b:s2+s10], $0x1, v0, vm0, $0x4038;
	[tilespmem:$0xC0] =	vst v63  }
0x12: {  	_ =	swait.ge [sflag:s5], $0x30  }
0x13: {  	s30 =	sshrl.u32 s13, $0x3;
	[sflag:s5] =	ssyncset.done $0x0  }
0x14: {  	s31 =	sand.u32 $0x7, s13;
	s15 =	sadd.s32 s8, s30;
	[sflag:s5] =	ssyncadd.s32 $0xFFFFFFD0  }
0x15: {  	[hbm4b:s15+s31] =	stream.linear.scatter [tilespmem:s14], [sflag:$0x3], $0x30, $0x38;
	[tilespmem:$0xC0] =	vst v63  }
.LBB2_5:
0x16: {  	s15 =	sadd.s32 $0x600, s11  }
0x17: {  	p1 =	sgt.s32 s15, $0x77F  }
0x18: {  	s15 =	smov.u32 @p1 s4;
	p1 =	sne.s32 s12, s9  }
.Ltmp1:
0x19: {  	p0 =	slt.u32 s12, $0x2;
	(pc) =	sbr.rel @!p1 .LBB2_6-.Ltmp1, $4  }
0x1a: {  	s14 =	simm.s32 @!p0 $0x3  }
0x1b: {  	_ =	swait.ge @!p0 [sflag:s14], $0x30  }
0x1c: {  	s16 =	sadd.s32 $0x1, s12;
	s13 =	smov.u32 s11;
	[sflag:s14] =	ssyncset.done @!p0 $0x0  }
0x1d: {  	s12 =	smov.u32 s16;
	s11 =	smov.u32 s15;
	[sflag:s14] =	ssyncadd.s32 @!p0 $0xFFFFFFD0  }
.LBB2_1:
0x1e: {  	p0 =	sge.u32 s12, s7  }
0x1f: {  	s14 =	sxor.u32 @!p0 $0x1, s12  }
0x20: {  	s14 =	smul.u32 @!p0 $0xC0, s14  }
0x21: {  	s31 =	sadd.s32 $0xFFFFFFFF, s12;
	s15 =	sshrl.u32 @!p0 s11, $0x3  }
0x22: {  	s16 =	sand.u32 @!p0 $0x7, s11;
	s15 =	sadd.s32 @!p0 s3, s15;
	s14 =	sshra.s32 @!p0 s14, $0x2  }
0x23: {  	[tilespmem:s14], [sflag:$0x2] =	stream.linear.gather @!p0 [hbm4b:s15+s16], $0x30, $0x38;
	[tilespmem:$0xC0] =	vst v63  }
0x24: {  	p0 =	sge.u32 s31, s7  }
.Ltmp2:
0x25: {  	_ = 	snop;
	(pc) =	sbr.rel @p0 .LBB2_5-.Ltmp2, $1  }
0x26: {  	_ =	sdelay $0x3  }
0x27: {  	s14 =	sand.u32 $0x1, s12  }
0x28: {  	_ =	swait.ge [sflag:s6], $0x30;
	p0 =	seq.s32 s14, $0x1;
	s14 =	simm.s32 $0x30  }
0x29: {  	[sflag:s6] =	ssyncset.done $0x0;
	s14 =	simm.s32 @!p0 $0x0  }
0x2a: {  	[sflag:s6] =	ssyncadd.s32 $0xFFFFFFD0;
	(ifvalue) =	ssetifvalue $0x7FFFFFFF;
	v0 =	vld.msk [tilespmem:s14+$0x0 ss:$0x1], $0xffff;
	_ =	sdelay $0x4  }
0x2b: {  	vm1 =	vgt.s32 v0, $0x0  }
0x2c: {  	s15 =	sadd.s32 $0x10, s14;
	v0 =	vnsel vm1, $0x0, v0  }
0x2d: {  	v1 =	vmin.u32 v0, $0x77F;
	v0 =	vld.msk [tilespmem:s15+$0x0 ss:$0x1], $0xffff;
	_ =	sdelay $0x2  }
0x2e: {  	s16 =	simm.s32 $0x10;
	s14 =	sadd.s32 $0x60, s14  }
0x2f: {  	s17 =	sadd.s32 $0x10, s15;
	(ifvalue) =	ssetifvalue $0x7FFFFFFF;
	s15 =	smov.u32 s14  }
0x30: {  	[tilespmem:s14], [sflag:$0x1] =	stream.indirect_vreg.gather [hbm4b:s2+s10], $0x1, v1, vm0, $0x4038;
	vm1 =	vgt.s32 v0, $0x0;
	[tilespmem:$0xC0] =	vst v63  }
.LBB2_3:
0x31: {  	s16 =	sadd.s32 $0x10, s16;
	v1 =	vnsel vm1, $0x0, v0;
	v0 =	vld.msk [tilespmem:s17+$0x0 ss:$0x1], $0xffff  }
0x32: {  	p0 =	slt.u32 s16, $0x20;
	v1 =	vmin.u32 v1, $0x77F  }
.Ltmp3:
0x33: {  	(pc) =	sbr.rel @p0 .LBB2_3-.Ltmp3, $3  }
0x34: {  	_ =	sdelay $0x1  }
0x35: {  	s17 =	sadd.s32 $0x10, s17;
	s15 =	sadd.s32 $0x10, s15;
	(ifvalue) =	ssetifvalue $0x7FFFFFFF  }
0x36: {  	vm1 =	vgt.s32 v0, $0x0;
	[tilespmem:s15], [sflag:$0x1] =	stream.indirect_vreg.gather [hbm4b:s2+s10], $0x1, v1, vm0, $0x4038;
	[tilespmem:$0xC0] =	vst v63  }
.Ltmp4:
0x37: {  	_ = 	snop;
	(pc) =	sbr.rel .LBB2_4-.Ltmp4, $1  }
0x38: {  	_ =	sdelay $0x3  }
.LBB2_6:
0x39: {  	_ =	sfence.sel $0x180000  }
0x3a: {  	s2 =	simm.s32 $0x2;
	[bflag:$0x0] =	sbarrier.arrive $0xFFFF  }
0x3b: {  	s30 =	simm.s32 $0x3;
	[sflag:s2] =	ssyncpa.u1 $0x1  }
0x3c: {  	s31 =	simm.s32 $0x1;
	[sflag:s30] =	ssyncpa.u1 $0x1  }
0x3d: {  	[sflag:s31] =	ssyncpa.u1 $0x1  }
0x3e: {  	p0 =	sne.s32 s0, $0x0;
	_ =	strace $0x90000047  }
0x3f: {  	s0 =	sadd.s32 @!p0 $0x100000, s1;
	[bflag:$0x2] =	sbarrier.arrive $0xFFFF  }
0x40: {  	[sflag:s0] =	ssyncadd.tile.s32 @!p0 $0x1;
	_ =	shalt  }
.Lfunc_end2:
_tile_overlayer_lowered:
.L_overlay_start_2:
0x41: {  	(tag) =	ssettag $0x2  }
0x42: {  	s0 =	rddreg [dreg:$0x0];
	s2 =	stileid.u32  }
0x43: {  	s1 =	rddreg [dreg:$0x1];
	p0 =	sne.s32 s2, $0x0  }
0x44: {  	s3 =	rddreg [dreg:$0x2];
	[bflag:$0x3] =	sbarrier.arrive $0xFFFF;
	s2 =	simm.s32 @!p0 $0x1C01  }
0x45: {  	[timem:s3], [sflag:s2] =	dma.local @!p0 [hbm:s0], s1  }
0x46: {  	s0 =	simm.s32 @!p0 $0x1  }
0x47: {  	_ =	swait.ge @!p0 [sflag:s0], s1  }
0x48: {  	s1 =	ssub.s32 @!p0 $0x0, s1;
	[sflag:s0] =	ssyncset.done @!p0 $0x0  }
0x49: {  	[sflag:s0] =	ssyncadd.s32 @!p0 s1  }
0x4a: {  	[bflag:$0x3] =	sbarrier.arrive $0xFFFF  }
0x4b: {  	_ =	shalt  }

</sc_bundles>
